<compile_context>
chip_gen: v7x
topology: tpu7x:2x2x1
jax: 0.10.2.dev20260603
libtpu: 0.0.44.dev20260713+nightly
codegen_flags: <defaults>
</compile_context>

<pallas_src>
import functools

import jax
import jax.numpy as jnp
from jax import lax
from jax.experimental import pallas as pl
from jax.experimental.pallas import tpu as pltpu
from jax.experimental.pallas import tpu_sc as plsc

E = 16
K = 2
D = 2048
N = 4 * 4096
R = 1024
NT = N // R
NW = 32
RS = N // NW
L = 16
G = RS // L


def _tc_router(x_ref, w_ref, lt_ref, loss_ref, acc_ref):
    i = pl.program_id(0)
    lt = lax.dot_general(
        w_ref[...], x_ref[...],
        dimension_numbers=(((1,), (1,)), ((), ())),
        preferred_element_type=jnp.float32,
    )
    lt_ref[...] = lt
    m = jnp.max(lt, axis=0, keepdims=True)
    p = jnp.exp(lt - m)
    s = jnp.sum(p, axis=0, keepdims=True)
    part = jnp.sum(p / s, axis=1, keepdims=True)

    @pl.when(i == 0)
    def _():
        acc_ref[...] = jnp.zeros_like(acc_ref)

    acc_ref[...] += part

    @pl.when(i == pl.num_programs(0) - 1)
    def _():
        usage = acc_ref[...] * (1.0 / N)
        loss_ref[...] = E * jnp.sum(usage * usage, axis=(0, 1), keepdims=True)


def _tc_call(xf, w):
    return pl.pallas_call(
        _tc_router,
        grid=(NT,),
        in_specs=[
            pl.BlockSpec((R, D), lambda i: (i, 0)),
            pl.BlockSpec((E, D), lambda i: (0, 0)),
        ],
        out_specs=[
            pl.BlockSpec((E, R), lambda i: (0, i)),
            pl.BlockSpec((1, 1), lambda i: (0, 0)),
        ],
        out_shape=[
            jax.ShapeDtypeStruct((E, N), jnp.float32),
            jax.ShapeDtypeStruct((1, 1), jnp.float32),
        ],
        scratch_shapes=[pltpu.VMEM((E, 1), jnp.float32)],
    )(xf, w)


def _sc_router(lt_hbm, w_out, i_out, lt_v, w_v, i_v):
    nc = 2
    wid = lax.axis_index("s") * nc + lax.axis_index("c")
    base = wid * RS
    pltpu.sync_copy(lt_hbm.at[:, pl.ds(base, RS)], lt_v)

    def one_group(sl):
        m1 = lt_v[0, sl]
        i1 = jnp.zeros((L,), jnp.int32)
        m2 = jnp.full((L,), -3.0e38, jnp.float32)
        i2 = jnp.zeros((L,), jnp.int32)
        for e in range(1, E):
            le = lt_v[e, sl]
            es = jnp.full((L,), e, jnp.int32)
            gt1 = le > m1
            gt2 = le > m2
            n_m2 = jnp.where(gt1, m1, jnp.where(gt2, le, m2))
            n_i2 = jnp.where(gt1, i1, jnp.where(gt2, es, i2))
            m1 = jnp.where(gt1, le, m1)
            i1 = jnp.where(gt1, es, i1)
            m2 = n_m2
            i2 = n_i2
        e21 = jnp.exp(m2 - m1)
        den = 1.0 + e21
        w_v[0, sl] = 1.0 / den
        w_v[1, sl] = e21 / den
        i_v[0, sl] = i1
        i_v[1, sl] = i2

    def group(g, _):
        one_group(pl.ds(g * (2 * L), L))
        one_group(pl.ds(g * (2 * L) + L, L))
        return _

    lax.fori_loop(0, G // 2, group, 0)

    pltpu.sync_copy(w_v, w_out.at[:, pl.ds(base, RS)])
    pltpu.sync_copy(i_v, i_out.at[:, pl.ds(base, RS)])


@functools.lru_cache(maxsize=1)
def _sc_call():
    return pl.kernel(
        _sc_router,
        mesh=plsc.VectorSubcoreMesh(core_axis_name="c", subcore_axis_name="s"),
        out_type=[
            jax.ShapeDtypeStruct((K, N), jnp.float32),
            jax.ShapeDtypeStruct((K, N), jnp.int32),
        ],
        scratch_types=[
            pltpu.VMEM((E, RS), jnp.float32),
            pltpu.VMEM((K, RS), jnp.float32),
            pltpu.VMEM((K, RS), jnp.int32),
        ],
    )


def kernel(x, W):
    b, t, d = x.shape
    xf = x.reshape(b * t, d)
    lt, loss = _tc_call(xf, W)
    ws, idx = _sc_call()(lt)
    return (
        ws.T.reshape(b, t, K),
        idx.T.reshape(b, t, K),
        loss[0, 0],
    )

# --- scband reference (transcript-rebuilt; emitter-appended) ---
"""Pipeline reference for scband-router-20194936226468 (READ-ONLY COPY).

The authoritative reference and input builder live on the scoring server;
editing this copy changes nothing except your own understanding.
"""

import jax, jax.numpy as jnp
import numpy as np

EMBED_DIM = 2048
NUM_EXPERTS = 16
TOP_K = 2
B, T = 4, 4096

def setup_inputs(seed: int = 0) -> dict:
    key = jax.random.key(seed)
    kx, kw = jax.random.split(key)
    x = jax.random.normal(kx, (B, T, EMBED_DIM), dtype=jnp.float32)
    # xavier_uniform_ init for router weight [num_experts, embed_dim]
    limit = float(np.sqrt(6.0 / (EMBED_DIM + NUM_EXPERTS)))
    W = jax.random.uniform(kw, (NUM_EXPERTS, EMBED_DIM), dtype=jnp.float32, minval=-limit, maxval=limit)
    return {"x": x, "W": W}

def reference(x, W):
    # router_logits = Linear(embed_dim -> num_experts, bias=False)
    router_logits = jnp.einsum('btd,ed->bte', x, W)  # [B, T, E]
    # top-k over experts
    expert_weights, expert_indices = jax.lax.top_k(router_logits, TOP_K)  # [B, T, k]
    expert_weights = jax.nn.softmax(expert_weights, axis=-1)
    # load balancing loss
    router_probs = jax.nn.softmax(router_logits, axis=-1)  # [B, T, E]
    expert_usage = router_probs.mean(axis=(0, 1))  # [E]
    load_balancing_loss = NUM_EXPERTS * jnp.sum(expert_usage ** 2)
    return (expert_weights, expert_indices, load_balancing_loss)

if __name__ == "__main__":
    import jax
    _d = setup_inputs()
    print(jax.jit(kernel)(*tuple(_d.values())))

</pallas_src>

<mosaic_0001>
#map = affine_map<(d0, d1) -> (0, 0)>
module attributes {stable_mosaic.version = 14 : i64} {
  func.func @_sc_router(%arg0: i32, %arg1: i32, %arg2: memref<16x16384xf32, #tpu.memory_space<hbm>>, %arg3: memref<2x16384xf32, #tpu.memory_space<hbm>>, %arg4: memref<2x16384xi32, #tpu.memory_space<hbm>>, %arg5: memref<16x512xf32, #tpu.memory_space<vmem>>, %arg6: memref<2x512xf32, #tpu.memory_space<vmem>>, %arg7: memref<2x512xi32, #tpu.memory_space<vmem>>) attributes {dimension_semantics = [#tpu.dimension_semantics<core_parallel>, #tpu.dimension_semantics<subcore_parallel>], iteration_bounds = array<i64: 2, 16>, scalar_prefetch = 0 : i64, scratch_operands = 3 : i64, tpu.core_type = #tpu.core_type<sc_vector_subcore>, window_params = [{transform_indices = #map}, {transform_indices = #map}, {transform_indices = #map}]} {
    %mul3A = arith.constant 2 : i32
    %mul3A_0 = arith.muli %arg1, %mul3A : i32
    %add3A = arith.addi %mul3A_0, %arg0 : i32
    %mul3A_1 = arith.constant 512 : i32
    %mul3A_2 = arith.muli %add3A, %mul3A_1 : i32
    "tpu.region"() ({
      %run_scoped3A = tpu.sem_alloc : memref<!tpu.dma_semaphore, #tpu.memory_space<semaphore_mem>>
      %dma_start3A = arith.constant 0 : i32
      %dma_start3A_8 = tpu.memref_slice %arg2[%dma_start3A, %mul3A_2] : memref<16x16384xf32, #tpu.memory_space<hbm>> -> memref<16x512xf32, #tpu.memory_space<hbm>>
      %dma_start3A_9 = arith.constant 0 : i32
      %dma_start3A_10 = tpu.memref_slice %arg2[%dma_start3A_9, %mul3A_2] : memref<16x16384xf32, #tpu.memory_space<hbm>> -> memref<16x512xf32, #tpu.memory_space<hbm>>
      tpu.enqueue_dma source(%dma_start3A_10 : memref<16x512xf32, #tpu.memory_space<hbm>>) target(%arg5 : memref<16x512xf32, #tpu.memory_space<vmem>>) target_semaphore(%run_scoped3A : memref<!tpu.dma_semaphore, #tpu.memory_space<semaphore_mem>>)
      %dma_wait3A = arith.constant 0 : i32
      %dma_wait3A_11 = tpu.memref_slice %arg2[%dma_wait3A, %mul3A_2] : memref<16x16384xf32, #tpu.memory_space<hbm>> -> memref<16x512xf32, #tpu.memory_space<hbm>>
      %dma_wait3A_12 = arith.constant 0 : i32
      %dma_wait3A_13 = tpu.memref_slice %arg2[%dma_wait3A_12, %mul3A_2] : memref<16x16384xf32, #tpu.memory_space<hbm>> -> memref<16x512xf32, #tpu.memory_space<hbm>>
      tpu.wait_dma2 semaphore(%run_scoped3A : memref<!tpu.dma_semaphore, #tpu.memory_space<semaphore_mem>>) src(%dma_wait3A_13 : memref<16x512xf32, #tpu.memory_space<hbm>>) dst(%arg5 : memref<16x512xf32, #tpu.memory_space<vmem>>)
      tpu.yield
    }) : () -> ()
    %scan3A = arith.constant 0 : i32
    %scan3A_3 = arith.constant 0 : i32
    %scan3A_4 = arith.constant 16 : i32
    %scan3A_5 = arith.addi %scan3A_3, %scan3A_4 : i32
    %scan3A_6 = arith.constant 1 : i32
    scf.for %scan3A_8 = %scan3A_3 to %scan3A_5 step %scan3A_6  : i32 {
      %mul3A_9 = arith.constant 32 : i32
      %mul3A_10 = arith.muli %scan3A_8, %mul3A_9 : i32
      %get3A = arith.constant 0 : i32
      %get3A_11 = arith.index_cast %get3A : i32 to index
      %get3A_12 = arith.index_cast %mul3A_10 : i32 to index
      %get3A_13 = tpu.vector_load %arg5[%get3A_11, %get3A_12] {strides = array<i32>} : memref<16x512xf32, #tpu.memory_space<vmem>>, vector<1x16xf32>,
      %get3A_14 = vector.shape_cast %get3A_13 : vector<1x16xf32> to vector<16xf32>
      %broadcast_in_dim3A = arith.constant 0 : i32
      %broadcast_in_dim3A_15 = vector.broadcast %broadcast_in_dim3A : i32 to vector<16xi32>
      %broadcast_in_dim3A_16 = arith.constant -3.000000e+38 : f32
      %broadcast_in_dim3A_17 = vector.broadcast %broadcast_in_dim3A_16 : f32 to vector<16xf32>
      %broadcast_in_dim3A_18 = arith.constant 0 : i32
      %broadcast_in_dim3A_19 = vector.broadcast %broadcast_in_dim3A_18 : i32 to vector<16xi32>
      %get3A_20 = arith.constant 1 : i32
      %get3A_21 = arith.index_cast %get3A_20 : i32 to index
      %get3A_22 = arith.index_cast %mul3A_10 : i32 to index
      %get3A_23 = tpu.vector_load %arg5[%get3A_21, %get3A_22] {strides = array<i32>} : memref<16x512xf32, #tpu.memory_space<vmem>>, vector<1x16xf32>,
      %get3A_24 = vector.shape_cast %get3A_23 : vector<1x16xf32> to vector<16xf32>
      %broadcast_in_dim3A_25 = arith.constant 1 : i32
      %broadcast_in_dim3A_26 = vector.broadcast %broadcast_in_dim3A_25 : i32 to vector<16xi32>
      %gt3A = arith.cmpf ogt, %get3A_24, %get3A_14 : vector<16xf32>
      %gt3A_27 = arith.cmpf ogt, %get3A_24, %broadcast_in_dim3A_17 : vector<16xf32>
      %select_n3A = arith.select %gt3A_27, %get3A_24, %broadcast_in_dim3A_17 : vector<16xi1>, vector<16xf32>
      %select_n3A_28 = arith.select %gt3A, %get3A_14, %select_n3A : vector<16xi1>, vector<16xf32>
      %select_n3A_29 = arith.select %gt3A_27, %broadcast_in_dim3A_26, %broadcast_in_dim3A_19 : vector<16xi1>, vector<16xi32>
      %select_n3A_30 = arith.select %gt3A, %broadcast_in_dim3A_15, %select_n3A_29 : vector<16xi1>, vector<16xi32>
      %select_n3A_31 = arith.select %gt3A, %get3A_24, %get3A_14 : vector<16xi1>, vector<16xf32>
      %select_n3A_32 = arith.select %gt3A, %broadcast_in_dim3A_26, %broadcast_in_dim3A_15 : vector<16xi1>, vector<16xi32>
      %get3A_33 = arith.constant 2 : i32
      %get3A_34 = arith.index_cast %get3A_33 : i32 to index
      %get3A_35 = arith.index_cast %mul3A_10 : i32 to index
      %get3A_36 = tpu.vector_load %arg5[%get3A_34, %get3A_35] {strides = array<i32>} : memref<16x512xf32, #tpu.memory_space<vmem>>, vector<1x16xf32>,
      %get3A_37 = vector.shape_cast %get3A_36 : vector<1x16xf32> to vector<16xf32>
      %broadcast_in_dim3A_38 = arith.constant 2 : i32
      %broadcast_in_dim3A_39 = vector.broadcast %broadcast_in_dim3A_38 : i32 to vector<16xi32>
      %gt3A_40 = arith.cmpf ogt, %get3A_37, %select_n3A_31 : vector<16xf32>
      %gt3A_41 = arith.cmpf ogt, %get3A_37, %select_n3A_28 : vector<16xf32>
      %select_n3A_42 = arith.select %gt3A_41, %get3A_37, %select_n3A_28 : vector<16xi1>, vector<16xf32>
      %select_n3A_43 = arith.select %gt3A_40, %select_n3A_31, %select_n3A_42 : vector<16xi1>, vector<16xf32>
      %select_n3A_44 = arith.select %gt3A_41, %broadcast_in_dim3A_39, %select_n3A_30 : vector<16xi1>, vector<16xi32>
      %select_n3A_45 = arith.select %gt3A_40, %select_n3A_32, %select_n3A_44 : vector<16xi1>, vector<16xi32>
      %select_n3A_46 = arith.select %gt3A_40, %get3A_37, %select_n3A_31 : vector<16xi1>, vector<16xf32>
      %select_n3A_47 = arith.select %gt3A_40, %broadcast_in_dim3A_39, %select_n3A_32 : vector<16xi1>, vector<16xi32>
      %get3A_48 = arith.constant 3 : i32
      %get3A_49 = arith.index_cast %get3A_48 : i32 to index
      %get3A_50 = arith.index_cast %mul3A_10 : i32 to index
      %get3A_51 = tpu.vector_load %arg5[%get3A_49, %get3A_50] {strides = array<i32>} : memref<16x512xf32, #tpu.memory_space<vmem>>, vector<1x16xf32>,
      %get3A_52 = vector.shape_cast %get3A_51 : vector<1x16xf32> to vector<16xf32>
      %broadcast_in_dim3A_53 = arith.constant 3 : i32
      %broadcast_in_dim3A_54 = vector.broadcast %broadcast_in_dim3A_53 : i32 to vector<16xi32>
      %gt3A_55 = arith.cmpf ogt, %get3A_52, %select_n3A_46 : vector<16xf32>
      %gt3A_56 = arith.cmpf ogt, %get3A_52, %select_n3A_43 : vector<16xf32>
      %select_n3A_57 = arith.select %gt3A_56, %get3A_52, %select_n3A_43 : vector<16xi1>, vector<16xf32>
      %select_n3A_58 = arith.select %gt3A_55, %select_n3A_46, %select_n3A_57 : vector<16xi1>, vector<16xf32>
      %select_n3A_59 = arith.select %gt3A_56, %broadcast_in_dim3A_54, %select_n3A_45 : vector<16xi1>, vector<16xi32>
      %select_n3A_60 = arith.select %gt3A_55, %select_n3A_47, %select_n3A_59 : vector<16xi1>, vector<16xi32>
      %select_n3A_61 = arith.select %gt3A_55, %get3A_52, %select_n3A_46 : vector<16xi1>, vector<16xf32>
      %select_n3A_62 = arith.select %gt3A_55, %broadcast_in_dim3A_54, %select_n3A_47 : vector<16xi1>, vector<16xi32>
      %get3A_63 = arith.constant 4 : i32
      %get3A_64 = arith.index_cast %get3A_63 : i32 to index
      %get3A_65 = arith.index_cast %mul3A_10 : i32 to index
      %get3A_66 = tpu.vector_load %arg5[%get3A_64, %get3A_65] {strides = array<i32>} : memref<16x512xf32, #tpu.memory_space<vmem>>, vector<1x16xf32>,
      %get3A_67 = vector.shape_cast %get3A_66 : vector<1x16xf32> to vector<16xf32>
      %broadcast_in_dim3A_68 = arith.constant 4 : i32
      %broadcast_in_dim3A_69 = vector.broadcast %broadcast_in_dim3A_68 : i32 to vector<16xi32>
      %gt3A_70 = arith.cmpf ogt, %get3A_67, %select_n3A_61 : vector<16xf32>
      %gt3A_71 = arith.cmpf ogt, %get3A_67, %select_n3A_58 : vector<16xf32>
      %select_n3A_72 = arith.select %gt3A_71, %get3A_67, %select_n3A_58 : vector<16xi1>, vector<16xf32>
      %select_n3A_73 = arith.select %gt3A_70, %select_n3A_61, %select_n3A_72 : vector<16xi1>, vector<16xf32>
      %select_n3A_74 = arith.select %gt3A_71, %broadcast_in_dim3A_69, %select_n3A_60 : vector<16xi1>, vector<16xi32>
      %select_n3A_75 = arith.select %gt3A_70, %select_n3A_62, %select_n3A_74 : vector<16xi1>, vector<16xi32>
      %select_n3A_76 = arith.select %gt3A_70, %get3A_67, %select_n3A_61 : vector<16xi1>, vector<16xf32>
      %select_n3A_77 = arith.select %gt3A_70, %broadcast_in_dim3A_69, %select_n3A_62 : vector<16xi1>, vector<16xi32>
      %get3A_78 = arith.constant 5 : i32
      %get3A_79 = arith.index_cast %get3A_78 : i32 to index
      %get3A_80 = arith.index_cast %mul3A_10 : i32 to index
      %get3A_81 = tpu.vector_load %arg5[%get3A_79, %get3A_80] {strides = array<i32>} : memref<16x512xf32, #tpu.memory_space<vmem>>, vector<1x16xf32>,
      %get3A_82 = vector.shape_cast %get3A_81 : vector<1x16xf32> to vector<16xf32>
      %broadcast_in_dim3A_83 = arith.constant 5 : i32
      %broadcast_in_dim3A_84 = vector.broadcast %broadcast_in_dim3A_83 : i32 to vector<16xi32>
      %gt3A_85 = arith.cmpf ogt, %get3A_82, %select_n3A_76 : vector<16xf32>
      %gt3A_86 = arith.cmpf ogt, %get3A_82, %select_n3A_73 : vector<16xf32>
      %select_n3A_87 = arith.select %gt3A_86, %get3A_82, %select_n3A_73 : vector<16xi1>, vector<16xf32>
      %select_n3A_88 = arith.select %gt3A_85, %select_n3A_76, %select_n3A_87 : vector<16xi1>, vector<16xf32>
      %select_n3A_89 = arith.select %gt3A_86, %broadcast_in_dim3A_84, %select_n3A_75 : vector<16xi1>, vector<16xi32>
      %select_n3A_90 = arith.select %gt3A_85, %select_n3A_77, %select_n3A_89 : vector<16xi1>, vector<16xi32>
      %select_n3A_91 = arith.select %gt3A_85, %get3A_82, %select_n3A_76 : vector<16xi1>, vector<16xf32>
      %select_n3A_92 = arith.select %gt3A_85, %broadcast_in_dim3A_84, %select_n3A_77 : vector<16xi1>, vector<16xi32>
      %get3A_93 = arith.constant 6 : i32
      %get3A_94 = arith.index_cast %get3A_93 : i32 to index
      %get3A_95 = arith.index_cast %mul3A_10 : i32 to index
      %get3A_96 = tpu.vector_load %arg5[%get3A_94, %get3A_95] {strides = array<i32>} : memref<16x512xf32, #tpu.memory_space<vmem>>, vector<1x16xf32>,
      %get3A_97 = vector.shape_cast %get3A_96 : vector<1x16xf32> to vector<16xf32>
      %broadcast_in_dim3A_98 = arith.constant 6 : i32
      %broadcast_in_dim3A_99 = vector.broadcast %broadcast_in_dim3A_98 : i32 to vector<16xi32>
      %gt3A_100 = arith.cmpf ogt, %get3A_97, %select_n3A_91 : vector<16xf32>
      %gt3A_101 = arith.cmpf ogt, %get3A_97, %select_n3A_88 : vector<16xf32>
      %select_n3A_102 = arith.select %gt3A_101, %get3A_97, %select_n3A_88 : vector<16xi1>, vector<16xf32>
      %select_n3A_103 = arith.select %gt3A_100, %select_n3A_91, %select_n3A_102 : vector<16xi1>, vector<16xf32>
      %select_n3A_104 = arith.select %gt3A_101, %broadcast_in_dim3A_99, %select_n3A_90 : vector<16xi1>, vector<16xi32>
      %select_n3A_105 = arith.select %gt3A_100, %select_n3A_92, %select_n3A_104 : vector<16xi1>, vector<16xi32>
      %select_n3A_106 = arith.select %gt3A_100, %get3A_97, %select_n3A_91 : vector<16xi1>, vector<16xf32>
      %select_n3A_107 = arith.select %gt3A_100, %broadcast_in_dim3A_99, %select_n3A_92 : vector<16xi1>, vector<16xi32>
      %get3A_108 = arith.constant 7 : i32
      %get3A_109 = arith.index_cast %get3A_108 : i32 to index
      %get3A_110 = arith.index_cast %mul3A_10 : i32 to index
      %get3A_111 = tpu.vector_load %arg5[%get3A_109, %get3A_110] {strides = array<i32>} : memref<16x512xf32, #tpu.memory_space<vmem>>, vector<1x16xf32>,
      %get3A_112 = vector.shape_cast %get3A_111 : vector<1x16xf32> to vector<16xf32>
      %broadcast_in_dim3A_113 = arith.constant 7 : i32
      %broadcast_in_dim3A_114 = vector.broadcast %broadcast_in_dim3A_113 : i32 to vector<16xi32>
      %gt3A_115 = arith.cmpf ogt, %get3A_112, %select_n3A_106 : vector<16xf32>
      %gt3A_116 = arith.cmpf ogt, %get3A_112, %select_n3A_103 : vector<16xf32>
      %select_n3A_117 = arith.select %gt3A_116, %get3A_112, %select_n3A_103 : vector<16xi1>, vector<16xf32>
      %select_n3A_118 = arith.select %gt3A_115, %select_n3A_106, %select_n3A_117 : vector<16xi1>, vector<16xf32>
      %select_n3A_119 = arith.select %gt3A_116, %broadcast_in_dim3A_114, %select_n3A_105 : vector<16xi1>, vector<16xi32>
      %select_n3A_120 = arith.select %gt3A_115, %select_n3A_107, %select_n3A_119 : vector<16xi1>, vector<16xi32>
      %select_n3A_121 = arith.select %gt3A_115, %get3A_112, %select_n3A_106 : vector<16xi1>, vector<16xf32>
      %select_n3A_122 = arith.select %gt3A_115, %broadcast_in_dim3A_114, %select_n3A_107 : vector<16xi1>, vector<16xi32>
      %get3A_123 = arith.constant 8 : i32
      %get3A_124 = arith.index_cast %get3A_123 : i32 to index
      %get3A_125 = arith.index_cast %mul3A_10 : i32 to index
      %get3A_126 = tpu.vector_load %arg5[%get3A_124, %get3A_125] {strides = array<i32>} : memref<16x512xf32, #tpu.memory_space<vmem>>, vector<1x16xf32>,
      %get3A_127 = vector.shape_cast %get3A_126 : vector<1x16xf32> to vector<16xf32>
      %broadcast_in_dim3A_128 = arith.constant 8 : i32
      %broadcast_in_dim3A_129 = vector.broadcast %broadcast_in_dim3A_128 : i32 to vector<16xi32>
      %gt3A_130 = arith.cmpf ogt, %get3A_127, %select_n3A_121 : vector<16xf32>
      %gt3A_131 = arith.cmpf ogt, %get3A_127, %select_n3A_118 : vector<16xf32>
      %select_n3A_132 = arith.select %gt3A_131, %get3A_127, %select_n3A_118 : vector<16xi1>, vector<16xf32>
      %select_n3A_133 = arith.select %gt3A_130, %select_n3A_121, %select_n3A_132 : vector<16xi1>, vector<16xf32>
      %select_n3A_134 = arith.select %gt3A_131, %broadcast_in_dim3A_129, %select_n3A_120 : vector<16xi1>, vector<16xi32>
      %select_n3A_135 = arith.select %gt3A_130, %select_n3A_122, %select_n3A_134 : vector<16xi1>, vector<16xi32>
      %select_n3A_136 = arith.select %gt3A_130, %get3A_127, %select_n3A_121 : vector<16xi1>, vector<16xf32>
      %select_n3A_137 = arith.select %gt3A_130, %broadcast_in_dim3A_129, %select_n3A_122 : vector<16xi1>, vector<16xi32>
      %get3A_138 = arith.constant 9 : i32
      %get3A_139 = arith.index_cast %get3A_138 : i32 to index
      %get3A_140 = arith.index_cast %mul3A_10 : i32 to index
      %get3A_141 = tpu.vector_load %arg5[%get3A_139, %get3A_140] {strides = array<i32>} : memref<16x512xf32, #tpu.memory_space<vmem>>, vector<1x16xf32>,
      %get3A_142 = vector.shape_cast %get3A_141 : vector<1x16xf32> to vector<16xf32>
      %broadcast_in_dim3A_143 = arith.constant 9 : i32
      %broadcast_in_dim3A_144 = vector.broadcast %broadcast_in_dim3A_143 : i32 to vector<16xi32>
      %gt3A_145 = arith.cmpf ogt, %get3A_142, %select_n3A_136 : vector<16xf32>
      %gt3A_146 = arith.cmpf ogt, %get3A_142, %select_n3A_133 : vector<16xf32>
      %select_n3A_147 = arith.select %gt3A_146, %get3A_142, %select_n3A_133 : vector<16xi1>, vector<16xf32>
      %select_n3A_148 = arith.select %gt3A_145, %select_n3A_136, %select_n3A_147 : vector<16xi1>, vector<16xf32>
      %select_n3A_149 = arith.select %gt3A_146, %broadcast_in_dim3A_144, %select_n3A_135 : vector<16xi1>, vector<16xi32>
      %select_n3A_150 = arith.select %gt3A_145, %select_n3A_137, %select_n3A_149 : vector<16xi1>, vector<16xi32>
      %select_n3A_151 = arith.select %gt3A_145, %get3A_142, %select_n3A_136 : vector<16xi1>, vector<16xf32>
      %select_n3A_152 = arith.select %gt3A_145, %broadcast_in_dim3A_144, %select_n3A_137 : vector<16xi1>, vector<16xi32>
      %get3A_153 = arith.constant 10 : i32
      %get3A_154 = arith.index_cast %get3A_153 : i32 to index
      %get3A_155 = arith.index_cast %mul3A_10 : i32 to index
      %get3A_156 = tpu.vector_load %arg5[%get3A_154, %get3A_155] {strides = array<i32>} : memref<16x512xf32, #tpu.memory_space<vmem>>, vector<1x16xf32>,
      %get3A_157 = vector.shape_cast %get3A_156 : vector<1x16xf32> to vector<16xf32>
      %broadcast_in_dim3A_158 = arith.constant 10 : i32
      %broadcast_in_dim3A_159 = vector.broadcast %broadcast_in_dim3A_158 : i32 to vector<16xi32>
      %gt3A_160 = arith.cmpf ogt, %get3A_157, %select_n3A_151 : vector<16xf32>
      %gt3A_161 = arith.cmpf ogt, %get3A_157, %select_n3A_148 : vector<16xf32>
      %select_n3A_162 = arith.select %gt3A_161, %get3A_157, %select_n3A_148 : vector<16xi1>, vector<16xf32>
      %select_n3A_163 = arith.select %gt3A_160, %select_n3A_151, %select_n3A_162 : vector<16xi1>, vector<16xf32>
      %select_n3A_164 = arith.select %gt3A_161, %broadcast_in_dim3A_159, %select_n3A_150 : vector<16xi1>, vector<16xi32>
      %select_n3A_165 = arith.select %gt3A_160, %select_n3A_152, %select_n3A_164 : vector<16xi1>, vector<16xi32>
      %select_n3A_166 = arith.select %gt3A_160, %get3A_157, %select_n3A_151 : vector<16xi1>, vector<16xf32>
      %select_n3A_167 = arith.select %gt3A_160, %broadcast_in_dim3A_159, %select_n3A_152 : vector<16xi1>, vector<16xi32>
      %get3A_168 = arith.constant 11 : i32
      %get3A_169 = arith.index_cast %get3A_168 : i32 to index
      %get3A_170 = arith.index_cast %mul3A_10 : i32 to index
      %get3A_171 = tpu.vector_load %arg5[%get3A_169, %get3A_170] {strides = array<i32>} : memref<16x512xf32, #tpu.memory_space<vmem>>, vector<1x16xf32>,
      %get3A_172 = vector.shape_cast %get3A_171 : vector<1x16xf32> to vector<16xf32>
      %broadcast_in_dim3A_173 = arith.constant 11 : i32
      %broadcast_in_dim3A_174 = vector.broadcast %broadcast_in_dim3A_173 : i32 to vector<16xi32>
      %gt3A_175 = arith.cmpf ogt, %get3A_172, %select_n3A_166 : vector<16xf32>
      %gt3A_176 = arith.cmpf ogt, %get3A_172, %select_n3A_163 : vector<16xf32>
      %select_n3A_177 = arith.select %gt3A_176, %get3A_172, %select_n3A_163 : vector<16xi1>, vector<16xf32>
      %select_n3A_178 = arith.select %gt3A_175, %select_n3A_166, %select_n3A_177 : vector<16xi1>, vector<16xf32>
      %select_n3A_179 = arith.select %gt3A_176, %broadcast_in_dim3A_174, %select_n3A_165 : vector<16xi1>, vector<16xi32>
      %select_n3A_180 = arith.select %gt3A_175, %select_n3A_167, %select_n3A_179 : vector<16xi1>, vector<16xi32>
      %select_n3A_181 = arith.select %gt3A_175, %get3A_172, %select_n3A_166 : vector<16xi1>, vector<16xf32>
      %select_n3A_182 = arith.select %gt3A_175, %broadcast_in_dim3A_174, %select_n3A_167 : vector<16xi1>, vector<16xi32>
      %get3A_183 = arith.constant 12 : i32
      %get3A_184 = arith.index_cast %get3A_183 : i32 to index
      %get3A_185 = arith.index_cast %mul3A_10 : i32 to index
      %get3A_186 = tpu.vector_load %arg5[%get3A_184, %get3A_185] {strides = array<i32>} : memref<16x512xf32, #tpu.memory_space<vmem>>, vector<1x16xf32>,
      %get3A_187 = vector.shape_cast %get3A_186 : vector<1x16xf32> to vector<16xf32>
      %broadcast_in_dim3A_188 = arith.constant 12 : i32
      %broadcast_in_dim3A_189 = vector.broadcast %broadcast_in_dim3A_188 : i32 to vector<16xi32>
      %gt3A_190 = arith.cmpf ogt, %get3A_187, %select_n3A_181 : vector<16xf32>
      %gt3A_191 = arith.cmpf ogt, %get3A_187, %select_n3A_178 : vector<16xf32>
      %select_n3A_192 = arith.select %gt3A_191, %get3A_187, %select_n3A_178 : vector<16xi1>, vector<16xf32>
      %select_n3A_193 = arith.select %gt3A_190, %select_n3A_181, %select_n3A_192 : vector<16xi1>, vector<16xf32>
      %select_n3A_194 = arith.select %gt3A_191, %broadcast_in_dim3A_189, %select_n3A_180 : vector<16xi1>, vector<16xi32>
      %select_n3A_195 = arith.select %gt3A_190, %select_n3A_182, %select_n3A_194 : vector<16xi1>, vector<16xi32>
      %select_n3A_196 = arith.select %gt3A_190, %get3A_187, %select_n3A_181 : vector<16xi1>, vector<16xf32>
      %select_n3A_197 = arith.select %gt3A_190, %broadcast_in_dim3A_189, %select_n3A_182 : vector<16xi1>, vector<16xi32>
      %get3A_198 = arith.constant 13 : i32
      %get3A_199 = arith.index_cast %get3A_198 : i32 to index
      %get3A_200 = arith.index_cast %mul3A_10 : i32 to index
      %get3A_201 = tpu.vector_load %arg5[%get3A_199, %get3A_200] {strides = array<i32>} : memref<16x512xf32, #tpu.memory_space<vmem>>, vector<1x16xf32>,
      %get3A_202 = vector.shape_cast %get3A_201 : vector<1x16xf32> to vector<16xf32>
      %broadcast_in_dim3A_203 = arith.constant 13 : i32
      %broadcast_in_dim3A_204 = vector.broadcast %broadcast_in_dim3A_203 : i32 to vector<16xi32>
      %gt3A_205 = arith.cmpf ogt, %get3A_202, %select_n3A_196 : vector<16xf32>
      %gt3A_206 = arith.cmpf ogt, %get3A_202, %select_n3A_193 : vector<16xf32>
      %select_n3A_207 = arith.select %gt3A_206, %get3A_202, %select_n3A_193 : vector<16xi1>, vector<16xf32>
      %select_n3A_208 = arith.select %gt3A_205, %select_n3A_196, %select_n3A_207 : vector<16xi1>, vector<16xf32>
      %select_n3A_209 = arith.select %gt3A_206, %broadcast_in_dim3A_204, %select_n3A_195 : vector<16xi1>, vector<16xi32>
      %select_n3A_210 = arith.select %gt3A_205, %select_n3A_197, %select_n3A_209 : vector<16xi1>, vector<16xi32>
      %select_n3A_211 = arith.select %gt3A_205, %get3A_202, %select_n3A_196 : vector<16xi1>, vector<16xf32>
      %select_n3A_212 = arith.select %gt3A_205, %broadcast_in_dim3A_204, %select_n3A_197 : vector<16xi1>, vector<16xi32>
      %get3A_213 = arith.constant 14 : i32
      %get3A_214 = arith.index_cast %get3A_213 : i32 to index
      %get3A_215 = arith.index_cast %mul3A_10 : i32 to index
      %get3A_216 = tpu.vector_load %arg5[%get3A_214, %get3A_215] {strides = array<i32>} : memref<16x512xf32, #tpu.memory_space<vmem>>, vector<1x16xf32>,
      %get3A_217 = vector.shape_cast %get3A_216 : vector<1x16xf32> to vector<16xf32>
      %broadcast_in_dim3A_218 = arith.constant 14 : i32
      %broadcast_in_dim3A_219 = vector.broadcast %broadcast_in_dim3A_218 : i32 to vector<16xi32>
      %gt3A_220 = arith.cmpf ogt, %get3A_217, %select_n3A_211 : vector<16xf32>
      %gt3A_221 = arith.cmpf ogt, %get3A_217, %select_n3A_208 : vector<16xf32>
      %select_n3A_222 = arith.select %gt3A_221, %get3A_217, %select_n3A_208 : vector<16xi1>, vector<16xf32>
      %select_n3A_223 = arith.select %gt3A_220, %select_n3A_211, %select_n3A_222 : vector<16xi1>, vector<16xf32>
      %select_n3A_224 = arith.select %gt3A_221, %broadcast_in_dim3A_219, %select_n3A_210 : vector<16xi1>, vector<16xi32>
      %select_n3A_225 = arith.select %gt3A_220, %select_n3A_212, %select_n3A_224 : vector<16xi1>, vector<16xi32>
      %select_n3A_226 = arith.select %gt3A_220, %get3A_217, %select_n3A_211 : vector<16xi1>, vector<16xf32>
      %select_n3A_227 = arith.select %gt3A_220, %broadcast_in_dim3A_219, %select_n3A_212 : vector<16xi1>, vector<16xi32>
      %get3A_228 = arith.constant 15 : i32
      %get3A_229 = arith.index_cast %get3A_228 : i32 to index
      %get3A_230 = arith.index_cast %mul3A_10 : i32 to index
      %get3A_231 = tpu.vector_load %arg5[%get3A_229, %get3A_230] {strides = array<i32>} : memref<16x512xf32, #tpu.memory_space<vmem>>, vector<1x16xf32>,
      %get3A_232 = vector.shape_cast %get3A_231 : vector<1x16xf32> to vector<16xf32>
      %broadcast_in_dim3A_233 = arith.constant 15 : i32
      %broadcast_in_dim3A_234 = vector.broadcast %broadcast_in_dim3A_233 : i32 to vector<16xi32>
      %gt3A_235 = arith.cmpf ogt, %get3A_232, %select_n3A_226 : vector<16xf32>
      %gt3A_236 = arith.cmpf ogt, %get3A_232, %select_n3A_223 : vector<16xf32>
      %select_n3A_237 = arith.select %gt3A_236, %get3A_232, %select_n3A_223 : vector<16xi1>, vector<16xf32>
      %select_n3A_238 = arith.select %gt3A_235, %select_n3A_226, %select_n3A_237 : vector<16xi1>, vector<16xf32>
      %select_n3A_239 = arith.select %gt3A_236, %broadcast_in_dim3A_234, %select_n3A_225 : vector<16xi1>, vector<16xi32>
      %select_n3A_240 = arith.select %gt3A_235, %select_n3A_227, %select_n3A_239 : vector<16xi1>, vector<16xi32>
      %select_n3A_241 = arith.select %gt3A_235, %get3A_232, %select_n3A_226 : vector<16xi1>, vector<16xf32>
      %select_n3A_242 = arith.select %gt3A_235, %broadcast_in_dim3A_234, %select_n3A_227 : vector<16xi1>, vector<16xi32>
      %sub3A = arith.subf %select_n3A_238, %select_n3A_241 : vector<16xf32>
      %exp3A = math.exp %sub3A : vector<16xf32>
      %add3A_243 = arith.constant 1.000000e+00 : f32
      %add3A_244 = vector.broadcast %add3A_243 : f32 to vector<16xf32>
      %add3A_245 = arith.addf %add3A_244, %exp3A : vector<16xf32>
      %div3A = arith.constant 1.000000e+00 : f32
      %div3A_246 = vector.broadcast %div3A : f32 to vector<16xf32>
      %div3A_247 = arith.divf %div3A_246, %add3A_245 : vector<16xf32>
      %swap3A = arith.constant 0 : i32
      %swap3A_248 = arith.index_cast %swap3A : i32 to index
      %swap3A_249 = arith.index_cast %mul3A_10 : i32 to index
      %swap3A_250 = tpu.vector_load %arg6[%swap3A_248, %swap3A_249] {strides = array<i32>} : memref<2x512xf32, #tpu.memory_space<vmem>>, vector<1x16xf32>,
      %swap3A_251 = vector.shape_cast %swap3A_250 : vector<1x16xf32> to vector<16xf32>
      %swap3A_252 = vector.shape_cast %div3A_247 : vector<16xf32> to vector<1x16xf32>
      tpu.vector_store %arg6[%swap3A_248, %swap3A_249], %swap3A_252 {strides = array<i32>} : memref<2x512xf32, #tpu.memory_space<vmem>>, vector<1x16xf32>,
      %div3A_253 = arith.divf %exp3A, %add3A_245 : vector<16xf32>
      %swap3A_254 = arith.constant 1 : i32
      %swap3A_255 = arith.index_cast %swap3A_254 : i32 to index
      %swap3A_256 = arith.index_cast %mul3A_10 : i32 to index
      %swap3A_257 = tpu.vector_load %arg6[%swap3A_255, %swap3A_256] {strides = array<i32>} : memref<2x512xf32, #tpu.memory_space<vmem>>, vector<1x16xf32>,
      %swap3A_258 = vector.shape_cast %swap3A_257 : vector<1x16xf32> to vector<16xf32>
      %swap3A_259 = vector.shape_cast %div3A_253 : vector<16xf32> to vector<1x16xf32>
      tpu.vector_store %arg6[%swap3A_255, %swap3A_256], %swap3A_259 {strides = array<i32>} : memref<2x512xf32, #tpu.memory_space<vmem>>, vector<1x16xf32>,
      %swap3A_260 = arith.constant 0 : i32
      %swap3A_261 = arith.index_cast %swap3A_260 : i32 to index
      %swap3A_262 = arith.index_cast %mul3A_10 : i32 to index
      %swap3A_263 = tpu.vector_load %arg7[%swap3A_261, %swap3A_262] {strides = array<i32>} : memref<2x512xi32, #tpu.memory_space<vmem>>, vector<1x16xi32>,
      %swap3A_264 = vector.shape_cast %swap3A_263 : vector<1x16xi32> to vector<16xi32>
      %swap3A_265 = vector.shape_cast %select_n3A_242 : vector<16xi32> to vector<1x16xi32>
      tpu.vector_store %arg7[%swap3A_261, %swap3A_262], %swap3A_265 {strides = array<i32>} : memref<2x512xi32, #tpu.memory_space<vmem>>, vector<1x16xi32>,
      %swap3A_266 = arith.constant 1 : i32
      %swap3A_267 = arith.index_cast %swap3A_266 : i32 to index
      %swap3A_268 = arith.index_cast %mul3A_10 : i32 to index
      %swap3A_269 = tpu.vector_load %arg7[%swap3A_267, %swap3A_268] {strides = array<i32>} : memref<2x512xi32, #tpu.memory_space<vmem>>, vector<1x16xi32>,
      %swap3A_270 = vector.shape_cast %swap3A_269 : vector<1x16xi32> to vector<16xi32>
      %swap3A_271 = vector.shape_cast %select_n3A_240 : vector<16xi32> to vector<1x16xi32>
      tpu.vector_store %arg7[%swap3A_267, %swap3A_268], %swap3A_271 {strides = array<i32>} : memref<2x512xi32, #tpu.memory_space<vmem>>, vector<1x16xi32>,
      %mul3A_272 = arith.constant 32 : i32
      %mul3A_273 = arith.muli %scan3A_8, %mul3A_272 : i32
      %add3A_274 = arith.constant 16 : i32
      %add3A_275 = arith.addi %mul3A_273, %add3A_274 : i32
      %get3A_276 = arith.constant 0 : i32
      %get3A_277 = arith.index_cast %get3A_276 : i32 to index
      %get3A_278 = arith.index_cast %add3A_275 : i32 to index
      %get3A_279 = tpu.vector_load %arg5[%get3A_277, %get3A_278] {strides = array<i32>} : memref<16x512xf32, #tpu.memory_space<vmem>>, vector<1x16xf32>,
      %get3A_280 = vector.shape_cast %get3A_279 : vector<1x16xf32> to vector<16xf32>
      %broadcast_in_dim3A_281 = arith.constant 0 : i32
      %broadcast_in_dim3A_282 = vector.broadcast %broadcast_in_dim3A_281 : i32 to vector<16xi32>
      %broadcast_in_dim3A_283 = arith.constant -3.000000e+38 : f32
      %broadcast_in_dim3A_284 = vector.broadcast %broadcast_in_dim3A_283 : f32 to vector<16xf32>
      %broadcast_in_dim3A_285 = arith.constant 0 : i32
      %broadcast_in_dim3A_286 = vector.broadcast %broadcast_in_dim3A_285 : i32 to vector<16xi32>
      %get3A_287 = arith.constant 1 : i32
      %get3A_288 = arith.index_cast %get3A_287 : i32 to index
      %get3A_289 = arith.index_cast %add3A_275 : i32 to index
      %get3A_290 = tpu.vector_load %arg5[%get3A_288, %get3A_289] {strides = array<i32>} : memref<16x512xf32, #tpu.memory_space<vmem>>, vector<1x16xf32>,
      %get3A_291 = vector.shape_cast %get3A_290 : vector<1x16xf32> to vector<16xf32>
      %broadcast_in_dim3A_292 = arith.constant 1 : i32
      %broadcast_in_dim3A_293 = vector.broadcast %broadcast_in_dim3A_292 : i32 to vector<16xi32>
      %gt3A_294 = arith.cmpf ogt, %get3A_291, %get3A_280 : vector<16xf32>
      %gt3A_295 = arith.cmpf ogt, %get3A_291, %broadcast_in_dim3A_284 : vector<16xf32>
      %select_n3A_296 = arith.select %gt3A_295, %get3A_291, %broadcast_in_dim3A_284 : vector<16xi1>, vector<16xf32>
      %select_n3A_297 = arith.select %gt3A_294, %get3A_280, %select_n3A_296 : vector<16xi1>, vector<16xf32>
      %select_n3A_298 = arith.select %gt3A_295, %broadcast_in_dim3A_293, %broadcast_in_dim3A_286 : vector<16xi1>, vector<16xi32>
      %select_n3A_299 = arith.select %gt3A_294, %broadcast_in_dim3A_282, %select_n3A_298 : vector<16xi1>, vector<16xi32>
      %select_n3A_300 = arith.select %gt3A_294, %get3A_291, %get3A_280 : vector<16xi1>, vector<16xf32>
      %select_n3A_301 = arith.select %gt3A_294, %broadcast_in_dim3A_293, %broadcast_in_dim3A_282 : vector<16xi1>, vector<16xi32>
      %get3A_302 = arith.constant 2 : i32
      %get3A_303 = arith.index_cast %get3A_302 : i32 to index
      %get3A_304 = arith.index_cast %add3A_275 : i32 to index
      %get3A_305 = tpu.vector_load %arg5[%get3A_303, %get3A_304] {strides = array<i32>} : memref<16x512xf32, #tpu.memory_space<vmem>>, vector<1x16xf32>,
      %get3A_306 = vector.shape_cast %get3A_305 : vector<1x16xf32> to vector<16xf32>
      %broadcast_in_dim3A_307 = arith.constant 2 : i32
      %broadcast_in_dim3A_308 = vector.broadcast %broadcast_in_dim3A_307 : i32 to vector<16xi32>
      %gt3A_309 = arith.cmpf ogt, %get3A_306, %select_n3A_300 : vector<16xf32>
      %gt3A_310 = arith.cmpf ogt, %get3A_306, %select_n3A_297 : vector<16xf32>
      %select_n3A_311 = arith.select %gt3A_310, %get3A_306, %select_n3A_297 : vector<16xi1>, vector<16xf32>
      %select_n3A_312 = arith.select %gt3A_309, %select_n3A_300, %select_n3A_311 : vector<16xi1>, vector<16xf32>
      %select_n3A_313 = arith.select %gt3A_310, %broadcast_in_dim3A_308, %select_n3A_299 : vector<16xi1>, vector<16xi32>
      %select_n3A_314 = arith.select %gt3A_309, %select_n3A_301, %select_n3A_313 : vector<16xi1>, vector<16xi32>
      %select_n3A_315 = arith.select %gt3A_309, %get3A_306, %select_n3A_300 : vector<16xi1>, vector<16xf32>
      %select_n3A_316 = arith.select %gt3A_309, %broadcast_in_dim3A_308, %select_n3A_301 : vector<16xi1>, vector<16xi32>
      %get3A_317 = arith.constant 3 : i32
      %get3A_318 = arith.index_cast %get3A_317 : i32 to index
      %get3A_319 = arith.index_cast %add3A_275 : i32 to index
      %get3A_320 = tpu.vector_load %arg5[%get3A_318, %get3A_319] {strides = array<i32>} : memref<16x512xf32, #tpu.memory_space<vmem>>, vector<1x16xf32>,
      %get3A_321 = vector.shape_cast %get3A_320 : vector<1x16xf32> to vector<16xf32>
      %broadcast_in_dim3A_322 = arith.constant 3 : i32
      %broadcast_in_dim3A_323 = vector.broadcast %broadcast_in_dim3A_322 : i32 to vector<16xi32>
      %gt3A_324 = arith.cmpf ogt, %get3A_321, %select_n3A_315 : vector<16xf32>
      %gt3A_325 = arith.cmpf ogt, %get3A_321, %select_n3A_312 : vector<16xf32>
      %select_n3A_326 = arith.select %gt3A_325, %get3A_321, %select_n3A_312 : vector<16xi1>, vector<16xf32>
      %select_n3A_327 = arith.select %gt3A_324, %select_n3A_315, %select_n3A_326 : vector<16xi1>, vector<16xf32>
      %select_n3A_328 = arith.select %gt3A_325, %broadcast_in_dim3A_323, %select_n3A_314 : vector<16xi1>, vector<16xi32>
      %select_n3A_329 = arith.select %gt3A_324, %select_n3A_316, %select_n3A_328 : vector<16xi1>, vector<16xi32>
      %select_n3A_330 = arith.select %gt3A_324, %get3A_321, %select_n3A_315 : vector<16xi1>, vector<16xf32>
      %select_n3A_331 = arith.select %gt3A_324, %broadcast_in_dim3A_323, %select_n3A_316 : vector<16xi1>, vector<16xi32>
      %get3A_332 = arith.constant 4 : i32
      %get3A_333 = arith.index_cast %get3A_332 : i32 to index
      %get3A_334 = arith.index_cast %add3A_275 : i32 to index
      %get3A_335 = tpu.vector_load %arg5[%get3A_333, %get3A_334] {strides = array<i32>} : memref<16x512xf32, #tpu.memory_space<vmem>>, vector<1x16xf32>,
      %get3A_336 = vector.shape_cast %get3A_335 : vector<1x16xf32> to vector<16xf32>
      %broadcast_in_dim3A_337 = arith.constant 4 : i32
      %broadcast_in_dim3A_338 = vector.broadcast %broadcast_in_dim3A_337 : i32 to vector<16xi32>
      %gt3A_339 = arith.cmpf ogt, %get3A_336, %select_n3A_330 : vector<16xf32>
      %gt3A_340 = arith.cmpf ogt, %get3A_336, %select_n3A_327 : vector<16xf32>
      %select_n3A_341 = arith.select %gt3A_340, %get3A_336, %select_n3A_327 : vector<16xi1>, vector<16xf32>
      %select_n3A_342 = arith.select %gt3A_339, %select_n3A_330, %select_n3A_341 : vector<16xi1>, vector<16xf32>
      %select_n3A_343 = arith.select %gt3A_340, %broadcast_in_dim3A_338, %select_n3A_329 : vector<16xi1>, vector<16xi32>
      %select_n3A_344 = arith.select %gt3A_339, %select_n3A_331, %select_n3A_343 : vector<16xi1>, vector<16xi32>
      %select_n3A_345 = arith.select %gt3A_339, %get3A_336, %select_n3A_330 : vector<16xi1>, vector<16xf32>
      %select_n3A_346 = arith.select %gt3A_339, %broadcast_in_dim3A_338, %select_n3A_331 : vector<16xi1>, vector<16xi32>
      %get3A_347 = arith.constant 5 : i32
      %get3A_348 = arith.index_cast %get3A_347 : i32 to index
      %get3A_349 = arith.index_cast %add3A_275 : i32 to index
      %get3A_350 = tpu.vector_load %arg5[%get3A_348, %get3A_349] {strides = array<i32>} : memref<16x512xf32, #tpu.memory_space<vmem>>, vector<1x16xf32>,
      %get3A_351 = vector.shape_cast %get3A_350 : vector<1x16xf32> to vector<16xf32>
      %broadcast_in_dim3A_352 = arith.constant 5 : i32
      %broadcast_in_dim3A_353 = vector.broadcast %broadcast_in_dim3A_352 : i32 to vector<16xi32>
      %gt3A_354 = arith.cmpf ogt, %get3A_351, %select_n3A_345 : vector<16xf32>
      %gt3A_355 = arith.cmpf ogt, %get3A_351, %select_n3A_342 : vector<16xf32>
      %select_n3A_356 = arith.select %gt3A_355, %get3A_351, %select_n3A_342 : vector<16xi1>, vector<16xf32>
      %select_n3A_357 = arith.select %gt3A_354, %select_n3A_345, %select_n3A_356 : vector<16xi1>, vector<16xf32>
      %select_n3A_358 = arith.select %gt3A_355, %broadcast_in_dim3A_353, %select_n3A_344 : vector<16xi1>, vector<16xi32>
      %select_n3A_359 = arith.select %gt3A_354, %select_n3A_346, %select_n3A_358 : vector<16xi1>, vector<16xi32>
      %select_n3A_360 = arith.select %gt3A_354, %get3A_351, %select_n3A_345 : vector<16xi1>, vector<16xf32>
      %select_n3A_361 = arith.select %gt3A_354, %broadcast_in_dim3A_353, %select_n3A_346 : vector<16xi1>, vector<16xi32>
      %get3A_362 = arith.constant 6 : i32
      %get3A_363 = arith.index_cast %get3A_362 : i32 to index
      %get3A_364 = arith.index_cast %add3A_275 : i32 to index
      %get3A_365 = tpu.vector_load %arg5[%get3A_363, %get3A_364] {strides = array<i32>} : memref<16x512xf32, #tpu.memory_space<vmem>>, vector<1x16xf32>,
      %get3A_366 = vector.shape_cast %get3A_365 : vector<1x16xf32> to vector<16xf32>
      %broadcast_in_dim3A_367 = arith.constant 6 : i32
      %broadcast_in_dim3A_368 = vector.broadcast %broadcast_in_dim3A_367 : i32 to vector<16xi32>
      %gt3A_369 = arith.cmpf ogt, %get3A_366, %select_n3A_360 : vector<16xf32>
      %gt3A_370 = arith.cmpf ogt, %get3A_366, %select_n3A_357 : vector<16xf32>
      %select_n3A_371 = arith.select %gt3A_370, %get3A_366, %select_n3A_357 : vector<16xi1>, vector<16xf32>
      %select_n3A_372 = arith.select %gt3A_369, %select_n3A_360, %select_n3A_371 : vector<16xi1>, vector<16xf32>
      %select_n3A_373 = arith.select %gt3A_370, %broadcast_in_dim3A_368, %select_n3A_359 : vector<16xi1>, vector<16xi32>
      %select_n3A_374 = arith.select %gt3A_369, %select_n3A_361, %select_n3A_373 : vector<16xi1>, vector<16xi32>
      %select_n3A_375 = arith.select %gt3A_369, %get3A_366, %select_n3A_360 : vector<16xi1>, vector<16xf32>
      %select_n3A_376 = arith.select %gt3A_369, %broadcast_in_dim3A_368, %select_n3A_361 : vector<16xi1>, vector<16xi32>
      %get3A_377 = arith.constant 7 : i32
      %get3A_378 = arith.index_cast %get3A_377 : i32 to index
      %get3A_379 = arith.index_cast %add3A_275 : i32 to index
      %get3A_380 = tpu.vector_load %arg5[%get3A_378, %get3A_379] {strides = array<i32>} : memref<16x512xf32, #tpu.memory_space<vmem>>, vector<1x16xf32>,
      %get3A_381 = vector.shape_cast %get3A_380 : vector<1x16xf32> to vector<16xf32>
      %broadcast_in_dim3A_382 = arith.constant 7 : i32
      %broadcast_in_dim3A_383 = vector.broadcast %broadcast_in_dim3A_382 : i32 to vector<16xi32>
      %gt3A_384 = arith.cmpf ogt, %get3A_381, %select_n3A_375 : vector<16xf32>
      %gt3A_385 = arith.cmpf ogt, %get3A_381, %select_n3A_372 : vector<16xf32>
      %select_n3A_386 = arith.select %gt3A_385, %get3A_381, %select_n3A_372 : vector<16xi1>, vector<16xf32>
      %select_n3A_387 = arith.select %gt3A_384, %select_n3A_375, %select_n3A_386 : vector<16xi1>, vector<16xf32>
      %select_n3A_388 = arith.select %gt3A_385, %broadcast_in_dim3A_383, %select_n3A_374 : vector<16xi1>, vector<16xi32>
      %select_n3A_389 = arith.select %gt3A_384, %select_n3A_376, %select_n3A_388 : vector<16xi1>, vector<16xi32>
      %select_n3A_390 = arith.select %gt3A_384, %get3A_381, %select_n3A_375 : vector<16xi1>, vector<16xf32>
      %select_n3A_391 = arith.select %gt3A_384, %broadcast_in_dim3A_383, %select_n3A_376 : vector<16xi1>, vector<16xi32>
      %get3A_392 = arith.constant 8 : i32
      %get3A_393 = arith.index_cast %get3A_392 : i32 to index
      %get3A_394 = arith.index_cast %add3A_275 : i32 to index
      %get3A_395 = tpu.vector_load %arg5[%get3A_393, %get3A_394] {strides = array<i32>} : memref<16x512xf32, #tpu.memory_space<vmem>>, vector<1x16xf32>,
      %get3A_396 = vector.shape_cast %get3A_395 : vector<1x16xf32> to vector<16xf32>
      %broadcast_in_dim3A_397 = arith.constant 8 : i32
      %broadcast_in_dim3A_398 = vector.broadcast %broadcast_in_dim3A_397 : i32 to vector<16xi32>
      %gt3A_399 = arith.cmpf ogt, %get3A_396, %select_n3A_390 : vector<16xf32>
      %gt3A_400 = arith.cmpf ogt, %get3A_396, %select_n3A_387 : vector<16xf32>
      %select_n3A_401 = arith.select %gt3A_400, %get3A_396, %select_n3A_387 : vector<16xi1>, vector<16xf32>
      %select_n3A_402 = arith.select %gt3A_399, %select_n3A_390, %select_n3A_401 : vector<16xi1>, vector<16xf32>
      %select_n3A_403 = arith.select %gt3A_400, %broadcast_in_dim3A_398, %select_n3A_389 : vector<16xi1>, vector<16xi32>
      %select_n3A_404 = arith.select %gt3A_399, %select_n3A_391, %select_n3A_403 : vector<16xi1>, vector<16xi32>
      %select_n3A_405 = arith.select %gt3A_399, %get3A_396, %select_n3A_390 : vector<16xi1>, vector<16xf32>
      %select_n3A_406 = arith.select %gt3A_399, %broadcast_in_dim3A_398, %select_n3A_391 : vector<16xi1>, vector<16xi32>
      %get3A_407 = arith.constant 9 : i32
      %get3A_408 = arith.index_cast %get3A_407 : i32 to index
      %get3A_409 = arith.index_cast %add3A_275 : i32 to index
      %get3A_410 = tpu.vector_load %arg5[%get3A_408, %get3A_409] {strides = array<i32>} : memref<16x512xf32, #tpu.memory_space<vmem>>, vector<1x16xf32>,
      %get3A_411 = vector.shape_cast %get3A_410 : vector<1x16xf32> to vector<16xf32>
      %broadcast_in_dim3A_412 = arith.constant 9 : i32
      %broadcast_in_dim3A_413 = vector.broadcast %broadcast_in_dim3A_412 : i32 to vector<16xi32>
      %gt3A_414 = arith.cmpf ogt, %get3A_411, %select_n3A_405 : vector<16xf32>
      %gt3A_415 = arith.cmpf ogt, %get3A_411, %select_n3A_402 : vector<16xf32>
      %select_n3A_416 = arith.select %gt3A_415, %get3A_411, %select_n3A_402 : vector<16xi1>, vector<16xf32>
      %select_n3A_417 = arith.select %gt3A_414, %select_n3A_405, %select_n3A_416 : vector<16xi1>, vector<16xf32>
      %select_n3A_418 = arith.select %gt3A_415, %broadcast_in_dim3A_413, %select_n3A_404 : vector<16xi1>, vector<16xi32>
      %select_n3A_419 = arith.select %gt3A_414, %select_n3A_406, %select_n3A_418 : vector<16xi1>, vector<16xi32>
      %select_n3A_420 = arith.select %gt3A_414, %get3A_411, %select_n3A_405 : vector<16xi1>, vector<16xf32>
      %select_n3A_421 = arith.select %gt3A_414, %broadcast_in_dim3A_413, %select_n3A_406 : vector<16xi1>, vector<16xi32>
      %get3A_422 = arith.constant 10 : i32
      %get3A_423 = arith.index_cast %get3A_422 : i32 to index
      %get3A_424 = arith.index_cast %add3A_275 : i32 to index
      %get3A_425 = tpu.vector_load %arg5[%get3A_423, %get3A_424] {strides = array<i32>} : memref<16x512xf32, #tpu.memory_space<vmem>>, vector<1x16xf32>,
      %get3A_426 = vector.shape_cast %get3A_425 : vector<1x16xf32> to vector<16xf32>
      %broadcast_in_dim3A_427 = arith.constant 10 : i32
      %broadcast_in_dim3A_428 = vector.broadcast %broadcast_in_dim3A_427 : i32 to vector<16xi32>
      %gt3A_429 = arith.cmpf ogt, %get3A_426, %select_n3A_420 : vector<16xf32>
      %gt3A_430 = arith.cmpf ogt, %get3A_426, %select_n3A_417 : vector<16xf32>
      %select_n3A_431 = arith.select %gt3A_430, %get3A_426, %select_n3A_417 : vector<16xi1>, vector<16xf32>
      %select_n3A_432 = arith.select %gt3A_429, %select_n3A_420, %select_n3A_431 : vector<16xi1>, vector<16xf32>
      %select_n3A_433 = arith.select %gt3A_430, %broadcast_in_dim3A_428, %select_n3A_419 : vector<16xi1>, vector<16xi32>
      %select_n3A_434 = arith.select %gt3A_429, %select_n3A_421, %select_n3A_433 : vector<16xi1>, vector<16xi32>
      %select_n3A_435 = arith.select %gt3A_429, %get3A_426, %select_n3A_420 : vector<16xi1>, vector<16xf32>
      %select_n3A_436 = arith.select %gt3A_429, %broadcast_in_dim3A_428, %select_n3A_421 : vector<16xi1>, vector<16xi32>
      %get3A_437 = arith.constant 11 : i32
      %get3A_438 = arith.index_cast %get3A_437 : i32 to index
      %get3A_439 = arith.index_cast %add3A_275 : i32 to index
      %get3A_440 = tpu.vector_load %arg5[%get3A_438, %get3A_439] {strides = array<i32>} : memref<16x512xf32, #tpu.memory_space<vmem>>, vector<1x16xf32>,
      %get3A_441 = vector.shape_cast %get3A_440 : vector<1x16xf32> to vector<16xf32>
      %broadcast_in_dim3A_442 = arith.constant 11 : i32
      %broadcast_in_dim3A_443 = vector.broadcast %broadcast_in_dim3A_442 : i32 to vector<16xi32>
      %gt3A_444 = arith.cmpf ogt, %get3A_441, %select_n3A_435 : vector<16xf32>
      %gt3A_445 = arith.cmpf ogt, %get3A_441, %select_n3A_432 : vector<16xf32>
      %select_n3A_446 = arith.select %gt3A_445, %get3A_441, %select_n3A_432 : vector<16xi1>, vector<16xf32>
      %select_n3A_447 = arith.select %gt3A_444, %select_n3A_435, %select_n3A_446 : vector<16xi1>, vector<16xf32>
      %select_n3A_448 = arith.select %gt3A_445, %broadcast_in_dim3A_443, %select_n3A_434 : vector<16xi1>, vector<16xi32>
      %select_n3A_449 = arith.select %gt3A_444, %select_n3A_436, %select_n3A_448 : vector<16xi1>, vector<16xi32>
      %select_n3A_450 = arith.select %gt3A_444, %get3A_441, %select_n3A_435 : vector<16xi1>, vector<16xf32>
      %select_n3A_451 = arith.select %gt3A_444, %broadcast_in_dim3A_443, %select_n3A_436 : vector<16xi1>, vector<16xi32>
      %get3A_452 = arith.constant 12 : i32
      %get3A_453 = arith.index_cast %get3A_452 : i32 to index
      %get3A_454 = arith.index_cast %add3A_275 : i32 to index
      %get3A_455 = tpu.vector_load %arg5[%get3A_453, %get3A_454] {strides = array<i32>} : memref<16x512xf32, #tpu.memory_space<vmem>>, vector<1x16xf32>,
      %get3A_456 = vector.shape_cast %get3A_455 : vector<1x16xf32> to vector<16xf32>
      %broadcast_in_dim3A_457 = arith.constant 12 : i32
      %broadcast_in_dim3A_458 = vector.broadcast %broadcast_in_dim3A_457 : i32 to vector<16xi32>
      %gt3A_459 = arith.cmpf ogt, %get3A_456, %select_n3A_450 : vector<16xf32>
      %gt3A_460 = arith.cmpf ogt, %get3A_456, %select_n3A_447 : vector<16xf32>
      %select_n3A_461 = arith.select %gt3A_460, %get3A_456, %select_n3A_447 : vector<16xi1>, vector<16xf32>
      %select_n3A_462 = arith.select %gt3A_459, %select_n3A_450, %select_n3A_461 : vector<16xi1>, vector<16xf32>
      %select_n3A_463 = arith.select %gt3A_460, %broadcast_in_dim3A_458, %select_n3A_449 : vector<16xi1>, vector<16xi32>
      %select_n3A_464 = arith.select %gt3A_459, %select_n3A_451, %select_n3A_463 : vector<16xi1>, vector<16xi32>
      %select_n3A_465 = arith.select %gt3A_459, %get3A_456, %select_n3A_450 : vector<16xi1>, vector<16xf32>
      %select_n3A_466 = arith.select %gt3A_459, %broadcast_in_dim3A_458, %select_n3A_451 : vector<16xi1>, vector<16xi32>
      %get3A_467 = arith.constant 13 : i32
      %get3A_468 = arith.index_cast %get3A_467 : i32 to index
      %get3A_469 = arith.index_cast %add3A_275 : i32 to index
      %get3A_470 = tpu.vector_load %arg5[%get3A_468, %get3A_469] {strides = array<i32>} : memref<16x512xf32, #tpu.memory_space<vmem>>, vector<1x16xf32>,
      %get3A_471 = vector.shape_cast %get3A_470 : vector<1x16xf32> to vector<16xf32>
      %broadcast_in_dim3A_472 = arith.constant 13 : i32
      %broadcast_in_dim3A_473 = vector.broadcast %broadcast_in_dim3A_472 : i32 to vector<16xi32>
      %gt3A_474 = arith.cmpf ogt, %get3A_471, %select_n3A_465 : vector<16xf32>
      %gt3A_475 = arith.cmpf ogt, %get3A_471, %select_n3A_462 : vector<16xf32>
      %select_n3A_476 = arith.select %gt3A_475, %get3A_471, %select_n3A_462 : vector<16xi1>, vector<16xf32>
      %select_n3A_477 = arith.select %gt3A_474, %select_n3A_465, %select_n3A_476 : vector<16xi1>, vector<16xf32>
      %select_n3A_478 = arith.select %gt3A_475, %broadcast_in_dim3A_473, %select_n3A_464 : vector<16xi1>, vector<16xi32>
      %select_n3A_479 = arith.select %gt3A_474, %select_n3A_466, %select_n3A_478 : vector<16xi1>, vector<16xi32>
      %select_n3A_480 = arith.select %gt3A_474, %get3A_471, %select_n3A_465 : vector<16xi1>, vector<16xf32>
      %select_n3A_481 = arith.select %gt3A_474, %broadcast_in_dim3A_473, %select_n3A_466 : vector<16xi1>, vector<16xi32>
      %get3A_482 = arith.constant 14 : i32
      %get3A_483 = arith.index_cast %get3A_482 : i32 to index
      %get3A_484 = arith.index_cast %add3A_275 : i32 to index
      %get3A_485 = tpu.vector_load %arg5[%get3A_483, %get3A_484] {strides = array<i32>} : memref<16x512xf32, #tpu.memory_space<vmem>>, vector<1x16xf32>,
      %get3A_486 = vector.shape_cast %get3A_485 : vector<1x16xf32> to vector<16xf32>
      %broadcast_in_dim3A_487 = arith.constant 14 : i32
      %broadcast_in_dim3A_488 = vector.broadcast %broadcast_in_dim3A_487 : i32 to vector<16xi32>
      %gt3A_489 = arith.cmpf ogt, %get3A_486, %select_n3A_480 : vector<16xf32>
      %gt3A_490 = arith.cmpf ogt, %get3A_486, %select_n3A_477 : vector<16xf32>
      %select_n3A_491 = arith.select %gt3A_490, %get3A_486, %select_n3A_477 : vector<16xi1>, vector<16xf32>
      %select_n3A_492 = arith.select %gt3A_489, %select_n3A_480, %select_n3A_491 : vector<16xi1>, vector<16xf32>
      %select_n3A_493 = arith.select %gt3A_490, %broadcast_in_dim3A_488, %select_n3A_479 : vector<16xi1>, vector<16xi32>
      %select_n3A_494 = arith.select %gt3A_489, %select_n3A_481, %select_n3A_493 : vector<16xi1>, vector<16xi32>
      %select_n3A_495 = arith.select %gt3A_489, %get3A_486, %select_n3A_480 : vector<16xi1>, vector<16xf32>
      %select_n3A_496 = arith.select %gt3A_489, %broadcast_in_dim3A_488, %select_n3A_481 : vector<16xi1>, vector<16xi32>
      %get3A_497 = arith.constant 15 : i32
      %get3A_498 = arith.index_cast %get3A_497 : i32 to index
      %get3A_499 = arith.index_cast %add3A_275 : i32 to index
      %get3A_500 = tpu.vector_load %arg5[%get3A_498, %get3A_499] {strides = array<i32>} : memref<16x512xf32, #tpu.memory_space<vmem>>, vector<1x16xf32>,
      %get3A_501 = vector.shape_cast %get3A_500 : vector<1x16xf32> to vector<16xf32>
      %broadcast_in_dim3A_502 = arith.constant 15 : i32
      %broadcast_in_dim3A_503 = vector.broadcast %broadcast_in_dim3A_502 : i32 to vector<16xi32>
      %gt3A_504 = arith.cmpf ogt, %get3A_501, %select_n3A_495 : vector<16xf32>
      %gt3A_505 = arith.cmpf ogt, %get3A_501, %select_n3A_492 : vector<16xf32>
      %select_n3A_506 = arith.select %gt3A_505, %get3A_501, %select_n3A_492 : vector<16xi1>, vector<16xf32>
      %select_n3A_507 = arith.select %gt3A_504, %select_n3A_495, %select_n3A_506 : vector<16xi1>, vector<16xf32>
      %select_n3A_508 = arith.select %gt3A_505, %broadcast_in_dim3A_503, %select_n3A_494 : vector<16xi1>, vector<16xi32>
      %select_n3A_509 = arith.select %gt3A_504, %select_n3A_496, %select_n3A_508 : vector<16xi1>, vector<16xi32>
      %select_n3A_510 = arith.select %gt3A_504, %get3A_501, %select_n3A_495 : vector<16xi1>, vector<16xf32>
      %select_n3A_511 = arith.select %gt3A_504, %broadcast_in_dim3A_503, %select_n3A_496 : vector<16xi1>, vector<16xi32>
      %sub3A_512 = arith.subf %select_n3A_507, %select_n3A_510 : vector<16xf32>
      %exp3A_513 = math.exp %sub3A_512 : vector<16xf32>
      %add3A_514 = arith.constant 1.000000e+00 : f32
      %add3A_515 = vector.broadcast %add3A_514 : f32 to vector<16xf32>
      %add3A_516 = arith.addf %add3A_515, %exp3A_513 : vector<16xf32>
      %div3A_517 = arith.constant 1.000000e+00 : f32
      %div3A_518 = vector.broadcast %div3A_517 : f32 to vector<16xf32>
      %div3A_519 = arith.divf %div3A_518, %add3A_516 : vector<16xf32>
      %swap3A_520 = arith.constant 0 : i32
      %swap3A_521 = arith.index_cast %swap3A_520 : i32 to index
      %swap3A_522 = arith.index_cast %add3A_275 : i32 to index
      %swap3A_523 = tpu.vector_load %arg6[%swap3A_521, %swap3A_522] {strides = array<i32>} : memref<2x512xf32, #tpu.memory_space<vmem>>, vector<1x16xf32>,
      %swap3A_524 = vector.shape_cast %swap3A_523 : vector<1x16xf32> to vector<16xf32>
      %swap3A_525 = vector.shape_cast %div3A_519 : vector<16xf32> to vector<1x16xf32>
      tpu.vector_store %arg6[%swap3A_521, %swap3A_522], %swap3A_525 {strides = array<i32>} : memref<2x512xf32, #tpu.memory_space<vmem>>, vector<1x16xf32>,
      %div3A_526 = arith.divf %exp3A_513, %add3A_516 : vector<16xf32>
      %swap3A_527 = arith.constant 1 : i32
      %swap3A_528 = arith.index_cast %swap3A_527 : i32 to index
      %swap3A_529 = arith.index_cast %add3A_275 : i32 to index
      %swap3A_530 = tpu.vector_load %arg6[%swap3A_528, %swap3A_529] {strides = array<i32>} : memref<2x512xf32, #tpu.memory_space<vmem>>, vector<1x16xf32>,
      %swap3A_531 = vector.shape_cast %swap3A_530 : vector<1x16xf32> to vector<16xf32>
      %swap3A_532 = vector.shape_cast %div3A_526 : vector<16xf32> to vector<1x16xf32>
      tpu.vector_store %arg6[%swap3A_528, %swap3A_529], %swap3A_532 {strides = array<i32>} : memref<2x512xf32, #tpu.memory_space<vmem>>, vector<1x16xf32>,
      %swap3A_533 = arith.constant 0 : i32
      %swap3A_534 = arith.index_cast %swap3A_533 : i32 to index
      %swap3A_535 = arith.index_cast %add3A_275 : i32 to index
      %swap3A_536 = tpu.vector_load %arg7[%swap3A_534, %swap3A_535] {strides = array<i32>} : memref<2x512xi32, #tpu.memory_space<vmem>>, vector<1x16xi32>,
      %swap3A_537 = vector.shape_cast %swap3A_536 : vector<1x16xi32> to vector<16xi32>
      %swap3A_538 = vector.shape_cast %select_n3A_511 : vector<16xi32> to vector<1x16xi32>
      tpu.vector_store %arg7[%swap3A_534, %swap3A_535], %swap3A_538 {strides = array<i32>} : memref<2x512xi32, #tpu.memory_space<vmem>>, vector<1x16xi32>,
      %swap3A_539 = arith.constant 1 : i32
      %swap3A_540 = arith.index_cast %swap3A_539 : i32 to index
      %swap3A_541 = arith.index_cast %add3A_275 : i32 to index
      %swap3A_542 = tpu.vector_load %arg7[%swap3A_540, %swap3A_541] {strides = array<i32>} : memref<2x512xi32, #tpu.memory_space<vmem>>, vector<1x16xi32>,
      %swap3A_543 = vector.shape_cast %swap3A_542 : vector<1x16xi32> to vector<16xi32>
      %swap3A_544 = vector.shape_cast %select_n3A_509 : vector<16xi32> to vector<1x16xi32>
      tpu.vector_store %arg7[%swap3A_540, %swap3A_541], %swap3A_544 {strides = array<i32>} : memref<2x512xi32, #tpu.memory_space<vmem>>, vector<1x16xi32>,
    }
    %scan3A_7 = arith.constant 16 : i32
    "tpu.region"() ({
      %run_scoped3A = tpu.sem_alloc : memref<!tpu.dma_semaphore, #tpu.memory_space<semaphore_mem>>
      %dma_start3A = arith.constant 0 : i32
      %dma_start3A_8 = tpu.memref_slice %arg3[%dma_start3A, %mul3A_2] : memref<2x16384xf32, #tpu.memory_space<hbm>> -> memref<2x512xf32, #tpu.memory_space<hbm>>
      %dma_start3A_9 = arith.constant 0 : i32
      %dma_start3A_10 = tpu.memref_slice %arg3[%dma_start3A_9, %mul3A_2] : memref<2x16384xf32, #tpu.memory_space<hbm>> -> memref<2x512xf32, #tpu.memory_space<hbm>>
      tpu.enqueue_dma source(%arg6 : memref<2x512xf32, #tpu.memory_space<vmem>>) target(%dma_start3A_10 : memref<2x512xf32, #tpu.memory_space<hbm>>) target_semaphore(%run_scoped3A : memref<!tpu.dma_semaphore, #tpu.memory_space<semaphore_mem>>)
      %dma_wait3A = arith.constant 0 : i32
      %dma_wait3A_11 = tpu.memref_slice %arg3[%dma_wait3A, %mul3A_2] : memref<2x16384xf32, #tpu.memory_space<hbm>> -> memref<2x512xf32, #tpu.memory_space<hbm>>
      %dma_wait3A_12 = arith.constant 0 : i32
      %dma_wait3A_13 = tpu.memref_slice %arg3[%dma_wait3A_12, %mul3A_2] : memref<2x16384xf32, #tpu.memory_space<hbm>> -> memref<2x512xf32, #tpu.memory_space<hbm>>
      tpu.wait_dma2 semaphore(%run_scoped3A : memref<!tpu.dma_semaphore, #tpu.memory_space<semaphore_mem>>) src(%arg6 : memref<2x512xf32, #tpu.memory_space<vmem>>) dst(%dma_wait3A_13 : memref<2x512xf32, #tpu.memory_space<hbm>>)
      tpu.yield
    }) : () -> ()
    "tpu.region"() ({
      %run_scoped3A = tpu.sem_alloc : memref<!tpu.dma_semaphore, #tpu.memory_space<semaphore_mem>>
      %dma_start3A = arith.constant 0 : i32
      %dma_start3A_8 = tpu.memref_slice %arg4[%dma_start3A, %mul3A_2] : memref<2x16384xi32, #tpu.memory_space<hbm>> -> memref<2x512xi32, #tpu.memory_space<hbm>>
      %dma_start3A_9 = arith.constant 0 : i32
      %dma_start3A_10 = tpu.memref_slice %arg4[%dma_start3A_9, %mul3A_2] : memref<2x16384xi32, #tpu.memory_space<hbm>> -> memref<2x512xi32, #tpu.memory_space<hbm>>
      tpu.enqueue_dma source(%arg7 : memref<2x512xi32, #tpu.memory_space<vmem>>) target(%dma_start3A_10 : memref<2x512xi32, #tpu.memory_space<hbm>>) target_semaphore(%run_scoped3A : memref<!tpu.dma_semaphore, #tpu.memory_space<semaphore_mem>>)
      %dma_wait3A = arith.constant 0 : i32
      %dma_wait3A_11 = tpu.memref_slice %arg4[%dma_wait3A, %mul3A_2] : memref<2x16384xi32, #tpu.memory_space<hbm>> -> memref<2x512xi32, #tpu.memory_space<hbm>>
      %dma_wait3A_12 = arith.constant 0 : i32
      %dma_wait3A_13 = tpu.memref_slice %arg4[%dma_wait3A_12, %mul3A_2] : memref<2x16384xi32, #tpu.memory_space<hbm>> -> memref<2x512xi32, #tpu.memory_space<hbm>>
      tpu.wait_dma2 semaphore(%run_scoped3A : memref<!tpu.dma_semaphore, #tpu.memory_space<semaphore_mem>>) src(%arg7 : memref<2x512xi32, #tpu.memory_space<vmem>>) dst(%dma_wait3A_13 : memref<2x512xi32, #tpu.memory_space<hbm>>)
      tpu.yield
    }) : () -> ()
    return
  }
}

module attributes {stable_mosaic.version = 14 : i64} {
  func.func @_tc_router(%arg0: i32, %arg1: memref<1024x2048xf32, #tpu.memory_space<vmem>>, %arg2: memref<16x2048xf32, #tpu.memory_space<vmem>>, %arg3: memref<16x1024xf32, #tpu.memory_space<vmem>>, %arg4: memref<1x1xf32, #tpu.memory_space<vmem>>, %arg5: memref<16x1xf32, #tpu.memory_space<vmem>>) attributes {dimension_semantics = [#tpu.dimension_semantics<arbitrary>], iteration_bounds = array<i64: 16>, scalar_prefetch = 0 : i64, scratch_operands = 1 : i64, tpu.core_type = #tpu.core_type<tc>, window_params = [{transform_indices = @transform_0, window_bounds = array<i64: 1024, 2048>}, {pipeline_mode = #tpu.pipeline_mode<synchronous>, transform_indices = @transform_1, window_bounds = array<i64: 16, 2048>}, {transform_indices = @transform_2, window_bounds = array<i64: 16, 1024>}, {pipeline_mode = #tpu.pipeline_mode<synchronous>, transform_indices = @transform_3, window_bounds = array<i64: 1, 1>}]} {
    %get3A = arith.constant 0 : index
    %get3A_0 = arith.constant 0 : index
    %get3A_1 = vector.load %arg2[%get3A, %get3A_0] : memref<16x2048xf32, #tpu.memory_space<vmem>>, vector<16x2048xf32>
    %get3A_2 = arith.constant 0 : index
    %get3A_3 = arith.constant 0 : index
    %get3A_4 = vector.load %arg1[%get3A_2, %get3A_3] : memref<1024x2048xf32, #tpu.memory_space<vmem>>, vector<1024x2048xf32>
    %dot_general3A = arith.constant dense<0.000000e+00> : vector<16x1024xf32>
    %dot_general3A_5 = tpu.matmul %get3A_1, %get3A_4, %dot_general3A {dimension_numbers = #tpu.dot_dimension_numbers<[1], [1], [0], [0], [0, 0, 1, 0], [], []>, transpose_lhs_hint = false} : vector<16x2048xf32>, vector<1024x2048xf32>, vector<16x1024xf32> -> vector<16x1024xf32>
    %swap3A = arith.constant 0 : index
    %swap3A_6 = arith.constant 0 : index
    %swap3A_7 = vector.load %arg3[%swap3A, %swap3A_6] : memref<16x1024xf32, #tpu.memory_space<vmem>>, vector<16x1024xf32>
    tpu.vector_store %arg3[%swap3A, %swap3A_6], %dot_general3A_5 {strides = array<i32>} : memref<16x1024xf32, #tpu.memory_space<vmem>>, vector<16x1024xf32>,
    %reduce_max3A = arith.constant dense<0xFF800000> : vector<1024xf32>
    %reduce_max3A_8 = vector.multi_reduction <maximumf>, %dot_general3A_5, %reduce_max3A [0] : vector<16x1024xf32> to vector<1024xf32>
    %broadcast_in_dim3A = vector.shape_cast %reduce_max3A_8 : vector<1024xf32> to vector<1x1024xf32>
    %sub3A = vector.broadcast %broadcast_in_dim3A : vector<1x1024xf32> to vector<16x1024xf32>
    %sub3A_9 = arith.subf %dot_general3A_5, %sub3A : vector<16x1024xf32>
    %exp3A = math.exp %sub3A_9 : vector<16x1024xf32>
    %reduce_sum3A = arith.constant dense<0.000000e+00> : vector<1024xf32>
    %reduce_sum3A_10 = vector.multi_reduction <add>, %exp3A, %reduce_sum3A [0] : vector<16x1024xf32> to vector<1024xf32>
    %broadcast_in_dim3A_11 = vector.shape_cast %reduce_sum3A_10 : vector<1024xf32> to vector<1x1024xf32>
    %div3A = vector.broadcast %broadcast_in_dim3A_11 : vector<1x1024xf32> to vector<16x1024xf32>
    %div3A_12 = arith.divf %exp3A, %div3A : vector<16x1024xf32>
    %reduce_sum3A_13 = arith.constant dense<0.000000e+00> : vector<16xf32>
    %reduce_sum3A_14 = vector.multi_reduction <add>, %div3A_12, %reduce_sum3A_13 [1] : vector<16x1024xf32> to vector<16xf32>
    %broadcast_in_dim3A_15 = vector.shape_cast %reduce_sum3A_14 : vector<16xf32> to vector<16x1xf32>
    %eq3A = arith.constant 0 : i32
    %eq3A_16 = arith.cmpi eq, %arg0, %eq3A : i32
    %convert_element_type3A = arith.extui %eq3A_16 : i1 to i32
    %cond3A = arith.constant 0 : i32
    %cond3A_17 = arith.cmpi ne, %convert_element_type3A, %cond3A : i32
    scf.if %cond3A_17 {
      %broadcast_in_dim3A_29 = arith.constant 0.000000e+00 : f32
      %broadcast_in_dim3A_30 = vector.broadcast %broadcast_in_dim3A_29 : f32 to vector<16x1xf32>
      %swap3A_31 = arith.constant 0 : index
      %swap3A_32 = arith.constant 0 : index
      %swap3A_33 = vector.load %arg5[%swap3A_31, %swap3A_32] : memref<16x1xf32, #tpu.memory_space<vmem>>, vector<16x1xf32>
      tpu.vector_store %arg5[%swap3A_31, %swap3A_32], %broadcast_in_dim3A_30 {strides = array<i32>} : memref<16x1xf32, #tpu.memory_space<vmem>>, vector<16x1xf32>,
    } else {
    }
    %get3A_18 = arith.constant 0 : index
    %get3A_19 = arith.constant 0 : index
    %get3A_20 = vector.load %arg5[%get3A_18, %get3A_19] : memref<16x1xf32, #tpu.memory_space<vmem>>, vector<16x1xf32>
    %add3A = arith.addf %get3A_20, %broadcast_in_dim3A_15 : vector<16x1xf32>
    %swap3A_21 = arith.constant 0 : index
    %swap3A_22 = arith.constant 0 : index
    %swap3A_23 = vector.load %arg5[%swap3A_21, %swap3A_22] : memref<16x1xf32, #tpu.memory_space<vmem>>, vector<16x1xf32>
    tpu.vector_store %arg5[%swap3A_21, %swap3A_22], %add3A {strides = array<i32>} : memref<16x1xf32, #tpu.memory_space<vmem>>, vector<16x1xf32>,
    %eq3A_24 = arith.constant 15 : i32
    %eq3A_25 = arith.cmpi eq, %arg0, %eq3A_24 : i32
    %convert_element_type3A_26 = arith.extui %eq3A_25 : i1 to i32
    %cond3A_27 = arith.constant 0 : i32
    %cond3A_28 = arith.cmpi ne, %convert_element_type3A_26, %cond3A_27 : i32
    scf.if %cond3A_28 {
      %get3A_29 = arith.constant 0 : index
      %get3A_30 = arith.constant 0 : index
      %get3A_31 = vector.load %arg5[%get3A_29, %get3A_30] : memref<16x1xf32, #tpu.memory_space<vmem>>, vector<16x1xf32>
      %mul3A = arith.constant 6.10351563E-5 : f32
      %mul3A_32 = vector.broadcast %mul3A : f32 to vector<16x1xf32>
      %mul3A_33 = arith.mulf %get3A_31, %mul3A_32 : vector<16x1xf32>
      %mul3A_34 = arith.mulf %mul3A_33, %mul3A_33 : vector<16x1xf32>
      %reduce_sum3A_35 = vector.shape_cast %mul3A_34 : vector<16x1xf32> to vector<1x16x1xf32>
      %reduce_sum3A_36 = arith.constant dense<0.000000e+00> : vector<1xf32>
      %reduce_sum3A_37 = vector.multi_reduction <add>, %reduce_sum3A_35, %reduce_sum3A_36 [1, 2] : vector<1x16x1xf32> to vector<1xf32>
      %reduce_sum3A_38 = vector.shape_cast %reduce_sum3A_37 : vector<1xf32> to vector<1x1x1xf32>
      %reduce_sum3A_39 = vector.extract %reduce_sum3A_38[0, 0, 0] : f32 from vector<1x1x1xf32>
      %broadcast_in_dim3A_40 = vector.broadcast %reduce_sum3A_39 : f32 to vector<1x1xf32>
      %mul3A_41 = arith.constant 1.600000e+01 : f32
      %mul3A_42 = vector.broadcast %mul3A_41 : f32 to vector<1x1xf32>
      %mul3A_43 = arith.mulf %mul3A_42, %broadcast_in_dim3A_40 : vector<1x1xf32>
      %swap3A_44 = arith.constant 0 : index
      %swap3A_45 = arith.constant 0 : index
      %swap3A_46 = vector.load %arg4[%swap3A_44, %swap3A_45] : memref<1x1xf32, #tpu.memory_space<vmem>>, vector<1x1xf32>
      tpu.vector_store %arg4[%swap3A_44, %swap3A_45], %mul3A_43 {strides = array<i32>} : memref<1x1xf32, #tpu.memory_space<vmem>>, vector<1x1xf32>,
    } else {
    }
    return
  }
  func.func @transform_0(%arg0: i32) -> (i32, i32) {
    %c0_i32 = arith.constant 0 : i32
    %c0_i32_0 = arith.constant 0 : i32
    return %arg0, %c0_i32 : i32, i32
  }
  func.func @transform_1(%arg0: i32) -> (i32, i32) {
    %c0_i32 = arith.constant 0 : i32
    %c0_i32_0 = arith.constant 0 : i32
    %c0_i32_1 = arith.constant 0 : i32
    return %c0_i32, %c0_i32_0 : i32, i32
  }
  func.func @transform_2(%arg0: i32) -> (i32, i32) {
    %c0_i32 = arith.constant 0 : i32
    %c0_i32_0 = arith.constant 0 : i32
    return %c0_i32, %arg0 : i32, i32
  }
  func.func @transform_3(%arg0: i32) -> (i32, i32) {
    %c0_i32 = arith.constant 0 : i32
    %c0_i32_0 = arith.constant 0 : i32
    %c0_i32_1 = arith.constant 0 : i32
    return %c0_i32, %c0_i32_0 : i32, i32
  }
}

</mosaic_0001>

<sc_bundles>
// kernel: kernel.4.cloned.1.call-start
scs
__scs_entry_jumppad:
0x0: {  	(pc) =	sbr.rel $0x88, $3  }
0x1: {  	(tag) =	ssettag $0x0;
	lr =	simm.s32 $0x1  }
0x2: {  	[smem:$0x3F9F] =	sst lr;
	_ =	strace $0xD0000000  }
0x3: {  	_ = 	snop  }
0x4: {  	_ = 	snop  }
0x5: {  	_ = 	snop  }
0x6: {  	_ = 	snop  }
0x7: {  	_ = 	snop  }
__scs_overlays_trampoline_lowered:
0x8: {  	[smem:$0x3FAE] =	sst s0  }
0x9: {  	[smem:$0x3FAF] =	sst s1  }
0xa: {  	[smem:$0x3FB0] =	sst s2  }
0xb: {  	[smem:$0x3FB1] =	sst s3  }
0xc: {  	[smem:$0x3FB2] =	sst s4  }
0xd: {  	[smem:$0x3FB3] =	sst s5  }
0xe: {  	[smem:$0x3FB4] =	sst s6  }
0xf: {  	[smem:$0x3FB5] =	sst s7  }
0x10: {  	[smem:$0x3FB6] =	sst s8  }
0x11: {  	[smem:$0x3FB7] =	sst s9;
	s0 =	simm.s32 @!p0 $0x0  }
0x12: {  	s1 =	sld [smem:$0x3F9D];
	s0 =	simm.s32 @p0 $0x1  }
0x13: {  	[smem:$0x3FB8] =	sst s0;
	s0 =	simm.s32 @!p1 $0x0  }
0x14: {  	s2 =	sld [smem:$0x3F9C];
	s0 =	simm.s32 @p1 $0x1  }
0x15: {  	[smem:$0x3FB9] =	sst s0;
	s0 =	simm.s32 @!p2 $0x0  }
0x16: {  	s3 =	sld [smem:$0x3FDB];
	s0 =	simm.s32 @p2 $0x1  }
0x17: {  	s4 =	simm.s32 $0x1BF5;
	[smem:$0x3FBB] =	sst s0  }
0x18: {  	s0 =	sld [smem:$0x3F9E];
	_ =	swait.ge [sflag:s4], $0x0  }
0x19: {  	s7 =	sld [smem:$0x3F9F]  }
0x1a: {  	s8 =	sadd.s32 $0xFFFFE003, lr  }
0x1b: {  	s9 =	sadd.s32 $0xFFFFFEF7, lr;
	s5 =	simm.s32 $0xFFFFFFFF;
	p2 =	slt.u32 s8, $0xFFFFF086  }
0x1c: {  	p1 =	slt.u32 s9, $0xF7A;
	s5 =	simm.s32 @!p2 $0x0  }
0x1d: {  	s5 =	simm.s32 @p1 $0x1;
	p0 =	seq.s32 s7, s2  }
0x1e: {  	s7 =	smul.u32 @!p0 $0xF7A, s2;
	p2 =	seq.s32 @!p0 s5, $0x0  }
0x1f: {  	s9 =	smul.u32 $0xF7A, s1;
	s8 =	simm.s32 @!p0 $0x1BF5;
	p2 =	por !p2, p0  }
0x20: {  	[sflag:s8] =	ssyncset.s32 @!p0 $0xFFFFF086;
	s6 =	sadd.s32 @!p0 s3, s7;
	s7 =	simm.s32 @!p0 $0x108  }
0x21: {  	s3 =	sadd.s32 s3, s9;
	s6 =	sadd.s32 @!p0 $0x88, s6;
	s7 =	simm.s32 @p2 $0x1082  }
0x22: {  	[simem:s7], [sflag:s8] =	dma.local @!p0 [hbm:s6], $0xF7A  }
0x23: {  	s9 =	sor.u32 $0xD0000000, s2;
	s6 =	simm.s32 $0x108;
	_ =	swait.ge @!p0 [sflag:s8], $0x0  }
0x24: {  	s3 =	sadd.s32 $0x88, s3;
	s6 =	simm.s32 @!p1 $0x1082;
	[sflag:s4] =	ssyncset.s32 $0xFFFFF086  }
0x25: {  	[simem:s6], [sflag:s4] =	dma.local [hbm:s3], $0xF7A  }
0x26: {  	[smem:$0x3F9F] =	sst s1;
	(tag) =	ssettag s2;
	_ =	strace s9  }
0x27: {  	s1 =	sld [smem:$0x3FAF]  }
0x28: {  	s2 =	sld [smem:$0x3FB0]  }
0x29: {  	s4 =	sld [smem:$0x3FB2]  }
0x2a: {  	p0 =	seq.s32 s5, $0x0;
	s5 =	sld [smem:$0x3FB3]  }
0x2b: {  	s6 =	sld [smem:$0x3FB4]  }
0x2c: {  	s7 =	sld [smem:$0x3FB5]  }
0x2d: {  	s3 =	simm.s32 $0x108;
	s8 =	sld [smem:$0x3FB6]  }
0x2e: {  	s3 =	simm.s32 @!p0 $0x1082;
	s9 =	sld [smem:$0x3FB7]  }
0x2f: {  	lr =	sadd.s32 s0, s3;
	s0 =	sld [smem:$0x3FAE]  }
0x30: {  	s3 =	sld [smem:$0x3FB1]  }
0x31: {  	[smem:$0x3FBA] =	sst s10  }
0x32: {  	s10 =	sld [smem:$0x3FB8];
	_ =	sdelay $0x3  }
0x33: {  	p0 =	seq.s32 s10, $0x1;
	s10 =	sld [smem:$0x3FBA];
	_ =	sdelay $0x3  }
0x34: {  	[smem:$0x3FBA] =	sst s10  }
0x35: {  	s10 =	sld [smem:$0x3FB9];
	_ =	sdelay $0x3  }
0x36: {  	p1 =	seq.s32 s10, $0x1;
	s10 =	sld [smem:$0x3FBA];
	_ =	sdelay $0x3  }
0x37: {  	[smem:$0x3FBA] =	sst s10  }
0x38: {  	s10 =	sld [smem:$0x3FBB]  }
0x39: {  	_ = 	snop;
	(pc) =	sbr.ind lr, $3  }
0x3a: {  	_ = 	snop  }
0x3b: {  	_ = 	snop  }
0x3c: {  	p2 =	seq.s32 s10, $0x1;
	s10 =	sld [smem:$0x3FBA]  }
0x3d: {  	_ =	shalt  }
0x3e: {  	_ =	shalt  }
0x3f: {  	_ =	shalt  }
0x40: {  	_ =	shalt  }
0x41: {  	_ =	shalt  }
0x42: {  	_ =	shalt  }
0x43: {  	_ =	shalt  }
0x44: {  	_ =	shalt  }
0x45: {  	_ =	shalt  }
0x46: {  	_ =	shalt  }
0x47: {  	_ =	shalt  }
0x48: {  	_ =	shalt  }
0x49: {  	_ =	shalt  }
0x4a: {  	_ =	shalt  }
0x4b: {  	_ =	shalt  }
0x4c: {  	_ =	shalt  }
0x4d: {  	_ =	shalt  }
0x4e: {  	_ =	shalt  }
0x4f: {  	_ =	shalt  }
0x50: {  	_ =	shalt  }
0x51: {  	_ =	shalt  }
0x52: {  	_ =	shalt  }
0x53: {  	_ =	shalt  }
0x54: {  	_ =	shalt  }
0x55: {  	_ =	shalt  }
0x56: {  	_ =	shalt  }
0x57: {  	_ =	shalt  }
0x58: {  	_ =	shalt  }
0x59: {  	_ =	shalt  }
0x5a: {  	_ =	shalt  }
0x5b: {  	_ =	shalt  }
0x5c: {  	_ =	shalt  }
0x5d: {  	_ =	shalt  }
0x5e: {  	_ =	shalt  }
0x5f: {  	_ =	shalt  }
0x60: {  	_ =	shalt  }
0x61: {  	_ =	shalt  }
0x62: {  	_ =	shalt  }
0x63: {  	_ =	shalt  }
0x64: {  	_ =	shalt  }
0x65: {  	_ =	shalt  }
0x66: {  	_ =	shalt  }
0x67: {  	_ =	shalt  }
0x68: {  	_ =	shalt  }
0x69: {  	_ =	shalt  }
0x6a: {  	_ =	shalt  }
0x6b: {  	_ =	shalt  }
0x6c: {  	_ =	shalt  }
0x6d: {  	_ =	shalt  }
0x6e: {  	_ =	shalt  }
0x6f: {  	_ =	shalt  }
0x70: {  	_ =	shalt  }
0x71: {  	_ =	shalt  }
0x72: {  	_ =	shalt  }
0x73: {  	_ =	shalt  }
0x74: {  	_ =	shalt  }
0x75: {  	_ =	shalt  }
0x76: {  	_ =	shalt  }
0x77: {  	_ =	shalt  }
0x78: {  	_ =	shalt  }
0x79: {  	_ =	shalt  }
0x7a: {  	_ =	shalt  }
0x7b: {  	_ =	shalt  }
0x7c: {  	_ =	shalt  }
0x7d: {  	_ =	shalt  }
0x7e: {  	_ =	shalt  }
0x7f: {  	_ =	shalt  }
0x80: {  	_ =	shalt  }
0x81: {  	_ =	shalt  }
0x82: {  	_ =	shalt  }
0x83: {  	_ =	shalt  }
0x84: {  	_ =	shalt  }
0x85: {  	_ =	shalt  }
0x86: {  	_ =	shalt  }
0x87: {  	_ =	shalt  }
.Lfunc_end0:
.L_simem_size_0:
called_computation_lowered:
.L_overlay_start_0:
0x88: {  	s2 =	sld [smem:$0x3FD9]  }
0x89: {  	s3 =	sld [smem:$0x3FFE];
	_ =	sdelay $0x1  }
0x8a: {  	s1 =	srdreg.scid  }
0x8b: {  	s0 =	sand.u32 $0x1, s1  }
0x8c: {  	s14 =	sshll.u32 s0, $0xA;
	s2 =	sadd.s32 s3, s2  }
0x8d: {  	s2 =	sadd.s32 s2, s14  }
0x8e: {  	[smem:$0x3FC6] =	sst s2  }
0x8f: {  	_ = 	snop  }
0x90: {  	s2 =	sld [smem:$0x3FD0];
	_ =	sdelay $0x2  }
0x91: {  	s15 =	simm.s32 $0xA;
	s4 =	simm.s32 $0x10  }
0x92: {  	[smem:s4], [sflag:s15] =	dma.local [hbm:s2], $0x1  }
0x93: {  	_ =	swait.eq [sflag:s15], $0x1  }
0x94: {  	[sflag:s15] =	ssyncset.done $0x0  }
0x95: {  	s16 =	sld [smem:$0x10];
	[sflag:s15] =	ssyncadd.s32 $0xFFFFFFFF  }
0x96: {  	s17 =	sld [smem:$0x11];
	(tm) =	ssettm $0x1  }
0x97: {  	s18 =	sld [smem:$0x3FFB];
	_ =	sdelay $0x3  }
0x98: {  	_ =	strace s18  }
0x99: {  	s4 =	sld [smem:$0x3FFC];
	_ =	sdelay $0x3  }
0x9a: {  	_ =	strace s4  }
0x9b: {  	s4 =	sld [smem:$0x3FFD];
	_ =	sdelay $0x3  }
0x9c: {  	_ =	strace s4  }
0x9d: {  	_ =	strace $0x8FFFFFFF  }
0x9e: {  	s19 =	sld [smem:$0x3FDB];
	_ =	sdelay $0x1  }
0x9f: {  	s5 =	simm.s32 $_scs_section_size  }
0xa0: {  	s6 =	simm.s32 $_size__tile_overlayer_lowered;
	s7 =	simm.s32 $_tile_overlayer_lowered  }
0xa1: {  	s22 =	simm.s32 $0x1BFF;
	s21 =	sshll.u32 s7, $0x1;
	s4 =	sadd.s32 s5, s19  }
0xa2: {  	s8 =	simm.s32 $0x0;
	s20 =	sshll.u32 s6, $0x1;
	s6 =	sadd.s32 s21, s4  }
0xa3: {  	[timem:s8], [sflag:s22] =	dma.local [hbm:s6], s20  }
0xa4: {  	_ =	swait.ge [sflag:s22], s20  }
0xa5: {  	s5 =	ssub.s32 $0x0, s20;
	[sflag:s22] =	ssyncset.done $0x0  }
0xa6: {  	[sflag:s22] =	ssyncadd.s32 s5;
	_ =	sdelay $0x1  }
0xa7: {  	s23 =	simm.s32 $0x1B8B  }
0xa8: {  	_ =	swait.ge [sflag:s23], $0x1  }
0xa9: {  	[sflag:s23] =	ssyncset.done $0x0  }
0xaa: {  	s25 =	simm.s32 $0x1B8E;
	s24 =	sld [smem:$0x3FFE];
	[sflag:s23] =	ssyncadd.s32 $0xFFFFFFFF  }
0xab: {  	s26 =	simm.s32 $execute0_lowered;
	[smem:$0x3FD2] =	sst s25  }
0xac: {  	s6 =	sshll.u32 s26, $0x1;
	_ =	strace $0x80000046;
	[dreg:$0x1] =	wrdreg $0xFFFFFFFF  }
0xad: {  	s28 =	simm.s32 $_size_execute0_lowered;
	s4 =	sadd.s32 s4, s6;
	[dreg:$0x0] =	wrdreg $0x0  }
0xae: {  	s6 =	sshll.u32 s28, $0x1;
	[dreg:$0x2] =	wrdreg s4  }
0xaf: {  	[dreg:$0x3] =	wrdreg s6  }
0xb0: {  	[dreg:$0x4] =	wrdreg $0xC0  }
0xb1: {  	_ =	task [dreg:s8], $0x5FFFF  }
0xb2: {  	[dreg:$0x1] =	wrdreg $0xFFFFFFFF  }
0xb3: {  	[dreg:$0x0] =	wrdreg $0x60  }
0xb4: {  	[dreg:$0x2] =	wrdreg s24  }
0xb5: {  	[dreg:$0x3] =	wrdreg s16  }
0xb6: {  	[dreg:$0x4] =	wrdreg s17  }
0xb7: {  	[dreg:$0x5] =	wrdreg $0x9  }
0xb8: {  	_ =	task.clear_ibuf [dreg:s8], $0x6FFFF;
	_ =	strace $0x90000046  }
0xb9: {  	s29 =	simm.s32 $0x9;
	_ =	strace $0x80000048  }
0xba: {  	_ =	swait.ge [sflag:s29], $0x1  }
0xbb: {  	[sflag:s29] =	ssyncadd.s32 $0xFFFFFFFF  }
0xbc: {  	_ =	strace $0x90000048  }
0xbd: {  	_ =	sfence  }
0xbe: {  	s30 =	sld [smem:$0x0];
	_ =	sdelay $0x2  }
0xbf: {  	s31 =	sshll.u32 s1, $0xD;
	s1 =	sshrl.u32 s1, $0x2  }
0xc0: {  	s3 =	sand.u32 $0x4000, s31;
	s1 =	sadd.s32 s1, s30  }
0xc1: {  	s0 =	sor.u32 s3, s0;
	s1 =	sshll.u32 s1, $0x11  }
0xc2: {  	s0 =	sor.u32 s1, s0  }
0xc3: {  	s0 =	sadd.s32 $0x8F2B, s0  }
0xc4: {  	[sflag:s0] =	ssyncadd.remote.s32 $0x1  }
0xc5: {  	_ =	sfence.sel $0xFFFF  }
0xc6: {  	[dreg:$0x0] =	wrdreg $0xFFFFFFFF;
	(pc) =	sbr.abs _section_cstart, $3  }
0xc7: {  	[dreg:$0x1] =	wrdreg $0xFFFFFFFF  }
0xc8: {  	_ =	task.clear_ibuf [dreg:s8], $0x2FFFF;
	_ =	strace $0x9FFFFFFF  }
0xc9: {  	(tm) =	ssettm $0x7FFFFFFF  }
tec
execute0_lowered:
.L_overlay_start_1:
0x0: {  	(tag) =	ssettag $0x1  }
0x1: {  	s0 =	rddreg [dreg:$0x0]  }
0x2: {  	s1 =	rddreg [dreg:$0x1]  }
0x3: {  	s5 =	rddreg [dreg:$0x2]  }
0x4: {  	s2 =	srdreg.scid;
	s4 =	stileid.u32;
	s9 =	simm.s32 $0x1  }
0x5: {  	s11 =	simm.s32 $0x2400;
	s12 =	simm.s32 $0x0;
	s3 =	sand.u32 $0x1, s2  }
0x6: {  	s2 =	simm.s32 $0x0;
	s4 =	sshll.u32 s4, $0xA;
	s6 =	sshll.u32 s3, $0x9  }
0x7: {  	[smem:$0x7FF] =	sst s2;
	s3 =	ssub.s32 $0x2, s3;
	s4 =	sor.u32 s6, s4  }
0x8: {  	_ =	strace $0x80000047;
	s30 =	sshrl.u32 s3, $0x1;
	s0 =	sadd.s32 s4, s0  }
0x9: {  	s6 =	ssub.s32 s3, s30;
	s31 =	sshrl.u32 s4, $0x2;
	s3 =	sadd.s32 $0xE00, s0  }
0xa: {  	v0 =	vimm.s32 $0x0;
	s4 =	sadd.s32 s1, s31;
	s5 =	sadd.s32 s5, s31;
	s6 =	smax.u32 s6, $0x1  }
.LBB2_1:
0xb: {  	s0 =	simm.s32 $0x1000;
	s1 =	simm.s32 $0x20000  }
0xc: {  	[tilespmem:s2], [sflag:$0x1] =	stream.strided.gather [hbm4b:s3+s0], $0x2000, s1, s0, $0x38;
	[tilespmem:$0x2800] =	vst v63  }
0xd: {  	s24 =	simm.s32 $0x0;
	_ =	swait.ge [sflag:s9], $0x2000  }
0xe: {  	s16 =	sand.u32 $0x60, s2;
	s14 =	sand.u32 $0x3FFFFC00, s24;
	[sflag:s9] =	ssyncset.done $0x0  }
0xf: {  	s0 =	sor.u32 s16, s14;
	[sflag:s9] =	ssyncadd.s32 $0xFFFFE000  }
0x10: {  	v1 =	vld [tilespmem:s0+$0x0]  }
0x11: {  	v2 =	vld [tilespmem:s0+$0x80];
	_ =	sdelay $0x2  }
0x12: {  	v3 =	vld [tilespmem:s0+$0x100];
	_ =	sdelay $0x1  }
0x13: {  	vm10 =	vgt.f32 v2, v1;
	vm15 =	vgt.f32 v2, $-3.000000010e+38  }
0x14: {  	vm14 =	vmneg vm10;
	v4 =	vnsel vm15, $0xFF61B1E6, v2  }
0x15: {  	v5 =	vld [tilespmem:s0+$0x180];
	v4 =	vsel vm14, v4, v1  }
0x16: {  	v1 =	vsel vm14, v1, v2;
	v2 =	vimm.s32 $0x0;
	vm0 =	vgt.f32 v3, v4  }
0x17: {  	v2 =	vsel vm0, $0xFFFFFFFF, v2  }
0x18: {  	vm9 =	vgt.f32 v3, v1;
	[tilespmem:$0x1FE90] =	vst v2;
	v2 =	vsel vm0, v3, v4  }
0x19: {  	v15 =	vld [tilespmem:s0+$0x200];
	v2 =	vsel vm9, v1, v2  }
0x1a: {  	v1 =	vsel vm9, v3, v1;
	v3 =	vimm.s32 $0x0;
	vm4 =	vgt.f32 v5, v2  }
0x1b: {  	v3 =	vsel vm4, $0xFFFFFFFF, v3  }
0x1c: {  	vm12 =	vgt.f32 v5, v1;
	v2 =	vsel vm4, v5, v2;
	[tilespmem:$0x1FEA0] =	vst v3;
	v3 =	vld [tilespmem:s0+$0x280]  }
0x1d: {  	v2 =	vsel vm12, v1, v2  }
0x1e: {  	v1 =	vsel vm12, v5, v1;
	vm5 =	vgt.f32 v15, v2  }
0x1f: {  	v17 =	vld [tilespmem:s0+$0x300];
	vm8 =	vgt.f32 v15, v1;
	v2 =	vsel vm5, v15, v2  }
0x20: {  	v2 =	vsel vm8, v1, v2  }
0x21: {  	v1 =	vsel vm8, v15, v1;
	vm13 =	vgt.f32 v3, v2  }
0x22: {  	v16 =	vimm.s32 $0x0;
	vm7 =	vgt.f32 v3, v1;
	v2 =	vsel vm13, v3, v2  }
0x23: {  	v19 =	vld [tilespmem:s0+$0x380];
	v5 =	vsel vm5, $0xFFFFFFFF, v16;
	v2 =	vsel vm7, v1, v2  }
0x24: {  	s13 =	sadd.s32 $0x1000, s14;
	v1 =	vsel vm7, v3, v1;
	v3 =	vimm.s32 $0x0;
	vm5 =	vgt.f32 v17, v2  }
0x25: {  	s25 =	sor.u32 s16, s13;
	v3 =	vsel vm5, $0xFFFFFFFF, v3  }
0x26: {  	vm11 =	vgt.f32 v17, v1;
	v2 =	vsel vm5, v17, v2;
	[tilespmem:$0x1FED0] =	vst v3;
	v3 =	vld [tilespmem:s25+$0x0]  }
0x27: {  	s15 =	sadd.s32 $0x1080, s14;
	v2 =	vsel vm11, v1, v2  }
0x28: {  	v18 =	vimm.s32 $0x0;
	s26 =	sor.u32 s16, s15;
	v1 =	vsel vm11, v17, v1;
	vm6 =	vgt.f32 v19, v2  }
0x29: {  	v21 =	vld [tilespmem:s26+$0x0];
	v4 =	vsel vm13, $0xFFFFFFFF, v18;
	vm13 =	vgt.f32 v19, v1;
	v2 =	vsel vm6, v19, v2  }
0x2a: {  	v2 =	vsel vm13, v1, v2  }
0x2b: {  	v20 =	vimm.s32 $0x0;
	s17 =	sadd.s32 $0x1100, s14;
	v1 =	vsel vm13, v19, v1;
	vm4 =	vgt.f32 v3, v2  }
0x2c: {  	s28 =	sor.u32 s16, s17;
	[tilespmem:$0x1FEB0] =	vst v5;
	v5 =	vsel vm6, $0xFFFFFFFF, v20;
	vm6 =	vgt.f32 v3, v1;
	v2 =	vsel vm4, v3, v2  }
0x2d: {  	v23 =	vld [tilespmem:s28+$0x0];
	v2 =	vsel vm6, v1, v2  }
0x2e: {  	s18 =	sadd.s32 $0x1180, s14;
	v1 =	vsel vm6, v3, v1;
	v3 =	vimm.s32 $0x0;
	vm5 =	vgt.f32 v21, v2  }
0x2f: {  	s29 =	sor.u32 s16, s18;
	v3 =	vsel vm5, $0xFFFFFFFF, v3  }
0x30: {  	v2 =	vsel vm5, v21, v2;
	vm5 =	vgt.f32 v21, v1;
	[tilespmem:$0x1FF00] =	vst v3;
	v3 =	vld [tilespmem:s29+$0x0]  }
0x31: {  	v22 =	vimm.s32 $0x0;
	v24 =	vimm.s32 $0x0;
	s19 =	sadd.s32 $0x1200, s14;
	v2 =	vsel vm5, v1, v2  }
0x32: {  	s30 =	sor.u32 s16, s19;
	[tilespmem:$0x1FEC0] =	vst v4;
	v4 =	vsel vm4, $0xFFFFFFFF, v22;
	v1 =	vsel vm5, v21, v1;
	vm4 =	vgt.f32 v23, v2  }
0x33: {  	v25 =	vld [tilespmem:s30+$0x0];
	[tilespmem:$0x1FEE0] =	vst v5;
	v5 =	vsel vm4, $0xFFFFFFFF, v24;
	v2 =	vsel vm4, v23, v2;
	vm4 =	vgt.f32 v23, v1  }
0x34: {  	v2 =	vsel vm4, v1, v2  }
0x35: {  	s20 =	sadd.s32 $0x1280, s14;
	v1 =	vsel vm4, v23, v1;
	vm0 =	vgt.f32 v3, v2  }
0x36: {  	v26 =	vimm.s32 $0x0;
	s31 =	sor.u32 s16, s20;
	vm3 =	vgt.f32 v3, v1;
	v2 =	vsel vm0, v3, v2  }
0x37: {  	v27 =	vld [tilespmem:s31+$0x0];
	[tilespmem:$0x1FEF0] =	vst v4;
	v4 =	vsel vm0, $0xFFFFFFFF, v26;
	v2 =	vsel vm3, v1, v2  }
0x38: {  	s21 =	sadd.s32 $0x1300, s14;
	v1 =	vsel vm3, v3, v1;
	v3 =	vimm.s32 $0x0;
	vm0 =	vgt.f32 v25, v2  }
0x39: {  	s1 =	sor.u32 s16, s21;
	v7 =	vld [tilespmem:$0x1FE90];
	v3 =	vsel vm0, $0xFFFFFFFF, v3  }
0x3a: {  	vm2 =	vgt.f32 v25, v1;
	v2 =	vsel vm0, v25, v2;
	[tilespmem:$0x1FF30] =	vst v3;
	v3 =	vld [tilespmem:s1+$0x0]  }
0x3b: {  	v28 =	vimm.s32 $0x0;
	s22 =	sadd.s32 $0x1380, s14;
	v2 =	vsel vm2, v1, v2  }
0x3c: {  	s7 =	sor.u32 s16, s22;
	v6 =	vsel vm10, $0x1, v0;
	v31 =	vld [tilespmem:$0x1FEA0];
	v1 =	vsel vm2, v25, v1;
	vm0 =	vgt.f32 v27, v2  }
0x3d: {  	v29 =	vld [tilespmem:s7+$0x0];
	[tilespmem:$0x1FF10] =	vst v5;
	vm1 =	vgt.f32 v27, v1;
	v5 =	vsel vm0, $0xFFFFFFFF, v28;
	v2 =	vsel vm0, v27, v2  }
0x3e: {  	vm0 =	vmand vm14, vm15;
	vm15 =	vnez.u8 v7;
	v2 =	vsel vm1, v1, v2  }
0x3f: {  	v1 =	vsel vm1, v27, v1;
	v30 =	vsel vm0, $0x1, v0;
	vm14 =	vgt.f32 v3, v2  }
0x40: {  	v32 =	vld [tilespmem:$0x1FEB0];
	[tilespmem:$0x1FF20] =	vst v4;
	v4 =	vsel vm15, $0x2, v30;
	vm0 =	vgt.f32 v3, v1;
	v2 =	vsel vm14, v3, v2  }
0x41: {  	vm15 =	vnez.u8 v31;
	v4 =	vsel vm9, v6, v4;
	v2 =	vsel vm0, v1, v2  }
0x42: {  	v33 =	vld [tilespmem:$0x1FEC0];
	v4 =	vsel vm15, $0x3, v4;
	v1 =	vsel vm0, v3, v1;
	vm10 =	vgt.f32 v29, v2  }
0x43: {  	v3 =	vsel vm9, $0x2, v6;
	vm9 =	vgt.f32 v29, v1;
	v2 =	vsel vm10, v29, v2  }
0x44: {  	[tilespmem:$0x1FF40] =	vst v5;
	v5 =	vsel vm9, v29, v1;
	v1 =	vsel vm9, v1, v2;
	v2 =	vsel vm12, v3, v4  }
0x45: {  	v3 =	vsel vm12, $0x3, v3;
	vm12 =	vnez.u8 v32;
	v1 =	vsub.f32 v1, v5  }
0x46: {  	v2 =	vsel vm12, $0x4, v2  }
0x47: {  	vm12 =	vnez.u8 v33;
	v2 =	vsel vm8, v3, v2;
	v1 =	vmul.f32 $1.442695020e+00, v1  }
0x48: {  	v3 =	vsel vm8, $0x4, v3;
	v2 =	vsel vm12, $0x5, v2  }
0x49: {  	v2 =	vsel vm7, v3, v2;
	(erf) = vpow2.f32 v1;
	v1 =	vsel vm7, $0x5, v3;
	v3 =	vld [tilespmem:$0x1FED0];
	_ =	sdelay $0x4  }
0x4a: {  	vm15 =	vnez.u8 v3;
	v3 =	vld [tilespmem:$0x1FEE0];
	_ =	sdelay $0x4  }
0x4b: {  	vm12 =	vnez.u8 v3;
	v3 =	vld [tilespmem:$0x1FEF0];
	_ =	sdelay $0x4  }
0x4c: {  	v2 =	vsel vm15, $0x6, v2;
	vm15 =	vnez.u8 v3;
	v3 =	vld [tilespmem:$0x1FF00];
	_ =	sdelay $0x3  }
0x4d: {  	v2 =	vsel vm11, v1, v2  }
0x4e: {  	v1 =	vsel vm11, $0x6, v1;
	v2 =	vsel vm12, $0x7, v2;
	vm11 =	vnez.u8 v3;
	v3 =	vld [tilespmem:$0x1FF10]  }
0x4f: {  	v2 =	vsel vm13, v1, v2  }
0x50: {  	v35 =	vld [tilespmem:$0x1FF20];
	v1 =	vsel vm13, $0x7, v1;
	v2 =	vsel vm15, $0x8, v2  }
0x51: {  	v2 =	vsel vm6, v1, v2  }
0x52: {  	v36 =	vld [tilespmem:$0x1FF30];
	v1 =	vsel vm6, $0x8, v1;
	v2 =	vsel vm11, $0x9, v2  }
0x53: {  	v2 =	vsel vm5, v1, v2;
	vm12 =	vnez.u8 v3  }
0x54: {  	v37 =	vld [tilespmem:$0x1FF40];
	v1 =	vsel vm5, $0x9, v1;
	v2 =	vsel vm12, $0xA, v2  }
0x55: {  	vm13 =	vnez.u8 v35;
	v2 =	vsel vm4, v1, v2  }
0x56: {  	v3 =	vpop (erf);
	v1 =	vsel vm4, $0xA, v1;
	v2 =	vsel vm13, $0xB, v2  }
0x57: {  	vm15 =	vnez.u8 v36;
	v34 =	vadd.f32 $1.000000000e+00, v3;
	v2 =	vsel vm3, v1, v2  }
0x58: {  	v1 =	vsel vm3, $0xB, v1;
	v2 =	vsel vm15, $0xC, v2  }
0x59: {  	vm4 =	vnez.u8 v37;
	(erf) = vrcp.f32 v34;
	v2 =	vsel vm2, v1, v2  }
0x5a: {  	v1 =	vsel vm2, $0xC, v1;
	v2 =	vsel vm4, $0xD, v2  }
0x5b: {  	v2 =	vsel vm1, v1, v2  }
0x5c: {  	v1 =	vsel vm1, $0xD, v1;
	v2 =	vsel vm14, $0xE, v2  }
0x5d: {  	v2 =	vsel vm0, v1, v2  }
0x5e: {  	v1 =	vsel vm0, $0xE, v1;
	v2 =	vsel vm10, $0xF, v2  }
0x5f: {  	s8 =	simm.s32 $0x0;
	v2 =	vsel vm9, v1, v2  }
0x60: {  	s23 =	sand.u32 $0xFFFFFF00, s8  }
0x61: {  	s0 =	sor.u32 s16, s23  }
0x62: {  	[tilespmem:s0+$0x2480] =	vst v2;
	v2 =	vpop (erf)  }
0x63: {  	v1 =	vsel vm9, $0xF, v1;
	[tilespmem:s0+$0x2000] =	vst v2;
	v2 =	vmul.f32 v2, v3  }
0x64: {  	s16 =	sor.u32 $0x10, s16;
	[tilespmem:s0+$0x2400] =	vst v1  }
0x65: {  	s10 =	sor.u32 s16, s14;
	[tilespmem:s0+$0x2080] =	vst v2  }
0x66: {  	v1 =	vld [tilespmem:s10+$0x0]  }
0x67: {  	v2 =	vld [tilespmem:s10+$0x80];
	_ =	sdelay $0x2  }
0x68: {  	v3 =	vld [tilespmem:s10+$0x100];
	_ =	sdelay $0x1  }
0x69: {  	vm12 =	vgt.f32 v2, v1;
	vm13 =	vgt.f32 v2, $-3.000000010e+38  }
0x6a: {  	vm1 =	vmneg vm12;
	v38 =	vnsel vm13, $0xFF61B1E6, v2  }
0x6b: {  	v39 =	vld [tilespmem:s10+$0x180];
	v4 =	vsel vm1, v38, v1  }
0x6c: {  	v1 =	vsel vm1, v1, v2;
	v2 =	vimm.s32 $0x0;
	vm5 =	vgt.f32 v3, v4  }
0x6d: {  	v2 =	vsel vm5, $0xFFFFFFFF, v2  }
0x6e: {  	vm0 =	vgt.f32 v3, v1;
	[tilespmem:$0x1FF50] =	vst v2;
	v2 =	vsel vm5, v3, v4  }
0x6f: {  	v40 =	vld [tilespmem:s10+$0x200];
	v2 =	vsel vm0, v1, v2  }
0x70: {  	v1 =	vsel vm0, v3, v1;
	v3 =	vimm.s32 $0x0;
	vm6 =	vgt.f32 v39, v2  }
0x71: {  	v3 =	vsel vm6, $0xFFFFFFFF, v3  }
0x72: {  	vm10 =	vgt.f32 v39, v1;
	v2 =	vsel vm6, v39, v2;
	[tilespmem:$0x1FF60] =	vst v3;
	v3 =	vld [tilespmem:s10+$0x280]  }
0x73: {  	v2 =	vsel vm10, v1, v2  }
0x74: {  	v1 =	vsel vm10, v39, v1;
	vm7 =	vgt.f32 v40, v2  }
0x75: {  	v42 =	vld [tilespmem:s10+$0x300];
	vm9 =	vgt.f32 v40, v1;
	v2 =	vsel vm7, v40, v2  }
0x76: {  	v2 =	vsel vm9, v1, v2  }
0x77: {  	v1 =	vsel vm9, v40, v1;
	vm14 =	vgt.f32 v3, v2  }
0x78: {  	vm8 =	vgt.f32 v3, v1;
	v2 =	vsel vm14, v3, v2  }
0x79: {  	v44 =	vld [tilespmem:s10+$0x380];
	v2 =	vsel vm8, v1, v2  }
0x7a: {  	v1 =	vsel vm8, v3, v1;
	v3 =	vimm.s32 $0x0;
	vm15 =	vgt.f32 v42, v2  }
0x7b: {  	s14 =	sor.u32 s16, s13;
	v3 =	vsel vm15, $0xFFFFFFFF, v3  }
0x7c: {  	vm11 =	vgt.f32 v42, v1;
	v2 =	vsel vm15, v42, v2;
	[tilespmem:$0x1FF90] =	vst v3;
	v3 =	vld [tilespmem:s14+$0x0]  }
0x7d: {  	v2 =	vsel vm11, v1, v2  }
0x7e: {  	v43 =	vimm.s32 $0x0;
	s24 =	sor.u32 s16, s15;
	v1 =	vsel vm11, v42, v1;
	vm4 =	vgt.f32 v44, v2  }
0x7f: {  	v46 =	vld [tilespmem:s24+$0x0];
	v4 =	vsel vm14, $0xFFFFFFFF, v43;
	vm14 =	vgt.f32 v44, v1;
	v2 =	vsel vm4, v44, v2  }
0x80: {  	v2 =	vsel vm14, v1, v2  }
0x81: {  	v41 =	vimm.s32 $0x0;
	v1 =	vsel vm14, v44, v1;
	vm5 =	vgt.f32 v3, v2  }
0x82: {  	s25 =	sor.u32 s16, s17;
	v5 =	vsel vm7, $0xFFFFFFFF, v41;
	vm7 =	vgt.f32 v3, v1;
	v2 =	vsel vm5, v3, v2  }
0x83: {  	v48 =	vld [tilespmem:s25+$0x0];
	v2 =	vsel vm7, v1, v2  }
0x84: {  	v1 =	vsel vm7, v3, v1;
	v3 =	vimm.s32 $0x0;
	vm6 =	vgt.f32 v46, v2  }
0x85: {  	s26 =	sor.u32 s16, s18;
	v3 =	vsel vm6, $0xFFFFFFFF, v3  }
0x86: {  	v2 =	vsel vm6, v46, v2;
	vm6 =	vgt.f32 v46, v1;
	[tilespmem:$0x1FFC0] =	vst v3;
	v3 =	vld [tilespmem:s26+$0x0]  }
0x87: {  	v45 =	vimm.s32 $0x0;
	v2 =	vsel vm6, v1, v2  }
0x88: {  	v47 =	vimm.s32 $0x0;
	s28 =	sor.u32 s16, s19;
	v1 =	vsel vm6, v46, v1;
	vm15 =	vgt.f32 v48, v2  }
0x89: {  	v50 =	vld [tilespmem:s28+$0x0];
	[tilespmem:$0x1FF80] =	vst v4;
	v4 =	vsel vm5, $0xFFFFFFFF, v47;
	vm5 =	vgt.f32 v48, v1;
	v2 =	vsel vm15, v48, v2  }
0x8a: {  	v49 =	vimm.s32 $0x0;
	v51 =	vimm.s32 $0x0;
	v2 =	vsel vm5, v1, v2  }
0x8b: {  	[tilespmem:$0x1FF70] =	vst v5;
	v5 =	vsel vm4, $0xFFFFFFFF, v45;
	v1 =	vsel vm5, v48, v1;
	vm4 =	vgt.f32 v3, v2  }
0x8c: {  	s29 =	sor.u32 s16, s20;
	[tilespmem:$0x1FFB0] =	vst v4;
	v4 =	vsel vm4, $0xFFFFFFFF, v51;
	v2 =	vsel vm4, v3, v2;
	vm4 =	vgt.f32 v3, v1  }
0x8d: {  	v52 =	vld [tilespmem:s29+$0x0];
	[tilespmem:$0x1FFA0] =	vst v5;
	v5 =	vsel vm15, $0xFFFFFFFF, v49;
	v2 =	vsel vm4, v1, v2  }
0x8e: {  	v1 =	vsel vm4, v3, v1;
	v3 =	vimm.s32 $0x0;
	vm15 =	vgt.f32 v50, v2  }
0x8f: {  	s30 =	sor.u32 s16, s21;
	v3 =	vsel vm15, $0xFFFFFFFF, v3  }
0x90: {  	vm3 =	vgt.f32 v50, v1;
	v2 =	vsel vm15, v50, v2;
	[tilespmem:$0x1FFF0] =	vst v3;
	v3 =	vld [tilespmem:s30+$0x0]  }
0x91: {  	v2 =	vsel vm3, v1, v2  }
0x92: {  	v1 =	vsel vm3, v50, v1;
	vm15 =	vgt.f32 v52, v2  }
0x93: {  	vm2 =	vgt.f32 v52, v1;
	v2 =	vsel vm15, v52, v2  }
0x94: {  	v2 =	vsel vm2, v1, v2  }
0x95: {  	s31 =	sor.u32 s16, s22;
	vm1 =	vmand vm1, vm13;
	v56 =	vld [tilespmem:$0x1FF50];
	v1 =	vsel vm2, v52, v1;
	vm13 =	vgt.f32 v3, v2  }
0x96: {  	v53 =	vld [tilespmem:s31+$0x0];
	v55 =	vsel vm1, $0x1, v0;
	vm1 =	vgt.f32 v3, v1;
	v2 =	vsel vm13, v3, v2  }
0x97: {  	v2 =	vsel vm1, v1, v2;
	v1 =	vsel vm1, v3, v1;
	v3 =	vld [tilespmem:$0x1FF60];
	_ =	sdelay $0x2  }
0x98: {  	v54 =	vsel vm12, $0x1, v0;
	vm12 =	vnez.u8 v56;
	v58 =	vld [tilespmem:$0x1FF70]  }
0x99: {  	v6 =	vsel vm0, $0x2, v54;
	[tilespmem:$0x1FFE0] =	vst v4;
	v4 =	vsel vm12, $0x2, v55  }
0x9a: {  	v59 =	vld [tilespmem:$0x1FF80];
	v4 =	vsel vm0, v54, v4;
	vm12 =	vgt.f32 v53, v2;
	vm0 =	vnez.u8 v3  }
0x9b: {  	v2 =	vsel vm12, v53, v2;
	v3 =	vsel vm0, $0x3, v4;
	vm0 =	vgt.f32 v53, v1  }
0x9c: {  	v57 =	vsel vm10, $0x3, v6;
	v60 =	vld [tilespmem:$0x1FF90];
	v2 =	vsel vm0, v1, v2  }
0x9d: {  	v1 =	vsel vm0, v53, v1;
	v3 =	vsel vm10, v6, v3;
	vm10 =	vnez.u8 v58  }
0x9e: {  	v3 =	vsel vm10, $0x4, v3;
	v1 =	vsub.f32 v2, v1  }
0x9f: {  	v2 =	vsel vm9, v57, v3;
	v3 =	vsel vm9, $0x4, v57;
	vm9 =	vnez.u8 v59  }
0xa0: {  	v2 =	vsel vm9, $0x5, v2;
	v1 =	vmul.f32 $1.442695020e+00, v1  }
0xa1: {  	v2 =	vsel vm8, v3, v2;
	v3 =	vsel vm8, $0x5, v3;
	vm8 =	vnez.u8 v60  }
0xa2: {  	v2 =	vsel vm8, $0x6, v2  }
0xa3: {  	(erf) = vpow2.f32 v1;
	v1 =	vsel vm11, v3, v2;
	v2 =	vsel vm11, $0x6, v3;
	v3 =	vld [tilespmem:$0x1FFA0];
	_ =	sdelay $0x4  }
0xa4: {  	vm8 =	vnez.u8 v3;
	v3 =	vld [tilespmem:$0x1FFB0];
	_ =	sdelay $0x3  }
0xa5: {  	v1 =	vsel vm8, $0x7, v1  }
0xa6: {  	v1 =	vsel vm14, v2, v1;
	v2 =	vsel vm14, $0x7, v2;
	vm14 =	vnez.u8 v3;
	v3 =	vld [tilespmem:$0x1FFC0];
	_ =	sdelay $0x3  }
0xa7: {  	[tilespmem:$0x1FFD0] =	vst v5  }
0xa8: {  	vm9 =	vnez.u8 v3;
	v3 =	vld [tilespmem:$0x1FFD0];
	_ =	sdelay $0x1  }
0xa9: {  	v1 =	vsel vm14, $0x8, v1  }
0xaa: {  	v61 =	vld [tilespmem:$0x1FFE0];
	v1 =	vsel vm7, v2, v1  }
0xab: {  	v2 =	vsel vm7, $0x8, v2;
	v1 =	vsel vm9, $0x9, v1  }
0xac: {  	v63 =	vld [tilespmem:$0x1FFF0];
	v1 =	vsel vm6, v2, v1;
	vm10 =	vnez.u8 v3  }
0xad: {  	v1 =	vsel vm10, $0xA, v1  }
0xae: {  	v2 =	vsel vm6, $0x9, v2  }
0xaf: {  	vm11 =	vnez.u8 v61;
	v3 =	vsel vm5, v2, v1  }
0xb0: {  	v2 =	vsel vm5, $0xA, v2;
	v3 =	vsel vm11, $0xB, v3;
	v1 =	vpop (erf)  }
0xb1: {  	vm14 =	vnez.u8 v63;
	v3 =	vsel vm4, v2, v3;
	v62 =	vadd.f32 $1.000000000e+00, v1  }
0xb2: {  	v2 =	vsel vm4, $0xB, v2;
	v3 =	vsel vm14, $0xC, v3  }
0xb3: {  	v3 =	vsel vm3, v2, v3;
	(erf) = vrcp.f32 v62  }
0xb4: {  	v2 =	vsel vm3, $0xC, v2;
	v3 =	vsel vm15, $0xD, v3  }
0xb5: {  	v3 =	vsel vm2, v2, v3  }
0xb6: {  	v2 =	vsel vm2, $0xD, v2;
	v3 =	vsel vm13, $0xE, v3  }
0xb7: {  	v3 =	vsel vm1, v2, v3  }
0xb8: {  	v2 =	vsel vm1, $0xE, v2;
	v3 =	vsel vm12, $0xF, v3  }
0xb9: {  	v3 =	vsel vm0, v2, v3;
	v2 =	vsel vm0, $0xF, v2  }
0xba: {  	s0 =	sor.u32 s23, s16  }
0xbb: {  	[tilespmem:s0+$0x2480] =	vst v3  }
0xbc: {  	s13 =	simm.s32 $0x1;
	s1 =	simm.s32 $0x2;
	s14 =	simm.s32 $0x0;
	[tilespmem:s0+$0x2400] =	vst v2;
	v2 =	vpop (erf)  }
.LBB2_2:
0xbd: {  	s7 =	sshll.u32 s13, $0x8  }
0xbe: {  	v1 =	vmul.f32 v2, v1;
	s14 =	sadd.s32 $0x20, s14;
	s26 =	smov.u32 s1;
	s15 =	sadd.s32 $0x1, s1  }
0xbf: {  	p0 =	sne.s32 s1, $0xF;
	s25 =	sand.u32 $0x60, s14;
	s24 =	sand.u32 $0x3FFFFC00, s7;
	[tilespmem:s0+$0x2000] =	vst v2  }
0xc0: {  	s10 =	sor.u32 s25, s24;
	s23 =	sadd.s32 $0x1000, s24;
	s22 =	sadd.s32 $0x1080, s24;
	[tilespmem:s0+$0x2080] =	vst v1  }
0xc1: {  	s21 =	sadd.s32 $0x1100, s24;
	v1 =	vld [tilespmem:s10+$0x0];
	s8 =	sor.u32 s25, s23;
	s7 =	sor.u32 s25, s22  }
0xc2: {  	s20 =	sadd.s32 $0x1180, s24;
	s19 =	sadd.s32 $0x1200, s24;
	s1 =	sor.u32 s25, s21;
	v2 =	vld [tilespmem:s10+$0x80]  }
0xc3: {  	s18 =	sadd.s32 $0x1280, s24;
	s0 =	sor.u32 s25, s20;
	s31 =	sor.u32 s25, s19  }
0xc4: {  	s17 =	sadd.s32 $0x1300, s24;
	s16 =	sadd.s32 $0x1380, s24;
	s30 =	sor.u32 s25, s18  }
0xc5: {  	s29 =	sor.u32 s25, s17;
	s28 =	sor.u32 s25, s16;
	v3 =	vld [tilespmem:s10+$0x100];
	_ =	sdelay $0x1  }
0xc6: {  	vm0 =	vgt.f32 v2, v1;
	vm1 =	vgt.f32 v2, $-3.000000010e+38  }
0xc7: {  	vm2 =	vmneg vm0;
	v4 =	vnsel vm1, $0xFF61B1E6, v2;
	v5 =	vsel vm0, $0x1, v0;
	v6 =	vld [tilespmem:s10+$0x180]  }
0xc8: {  	v4 =	vsel vm2, v4, v1;
	vm0 =	vmand vm2, vm1;
	v1 =	vsel vm2, v1, v2  }
0xc9: {  	v2 =	vsel vm0, $0x1, v0;
	vm0 =	vgt.f32 v3, v1;
	vm1 =	vgt.f32 v3, v4  }
0xca: {  	v4 =	vsel vm1, v3, v4;
	v2 =	vsel vm1, $0x2, v2;
	v3 =	vsel vm0, v3, v1;
	v7 =	vld [tilespmem:s10+$0x200]  }
0xcb: {  	v1 =	vsel vm0, v1, v4;
	v2 =	vsel vm0, v5, v2  }
0xcc: {  	v4 =	vsel vm0, $0x2, v5;
	vm0 =	vgt.f32 v6, v1  }
0xcd: {  	vm1 =	vgt.f32 v6, v3;
	v1 =	vsel vm0, v6, v1;
	v2 =	vsel vm0, $0x3, v2;
	v5 =	vld [tilespmem:s10+$0x280]  }
0xce: {  	v1 =	vsel vm1, v3, v1;
	v2 =	vsel vm1, v4, v2;
	v4 =	vsel vm1, $0x3, v4  }
0xcf: {  	v3 =	vsel vm1, v6, v3;
	vm0 =	vgt.f32 v7, v1  }
0xd0: {  	vm1 =	vgt.f32 v7, v3;
	v1 =	vsel vm0, v7, v1;
	v2 =	vsel vm0, $0x4, v2;
	v6 =	vld [tilespmem:s10+$0x300]  }
0xd1: {  	v1 =	vsel vm1, v3, v1;
	v2 =	vsel vm1, v4, v2;
	v4 =	vsel vm1, $0x4, v4  }
0xd2: {  	v3 =	vsel vm1, v7, v3;
	vm0 =	vgt.f32 v5, v1  }
0xd3: {  	vm1 =	vgt.f32 v5, v3;
	v1 =	vsel vm0, v5, v1;
	v2 =	vsel vm0, $0x5, v2;
	v7 =	vld [tilespmem:s10+$0x380]  }
0xd4: {  	v1 =	vsel vm1, v3, v1;
	v2 =	vsel vm1, v4, v2;
	v4 =	vsel vm1, $0x5, v4  }
0xd5: {  	v3 =	vsel vm1, v5, v3;
	vm0 =	vgt.f32 v6, v1  }
0xd6: {  	vm1 =	vgt.f32 v6, v3;
	v1 =	vsel vm0, v6, v1;
	v2 =	vsel vm0, $0x6, v2;
	v5 =	vld [tilespmem:s8+$0x0]  }
0xd7: {  	v1 =	vsel vm1, v3, v1;
	v2 =	vsel vm1, v4, v2;
	v4 =	vsel vm1, $0x6, v4  }
0xd8: {  	v3 =	vsel vm1, v6, v3;
	vm0 =	vgt.f32 v7, v1  }
0xd9: {  	vm1 =	vgt.f32 v7, v3;
	v1 =	vsel vm0, v7, v1;
	v2 =	vsel vm0, $0x7, v2;
	v6 =	vld [tilespmem:s7+$0x0]  }
0xda: {  	v1 =	vsel vm1, v3, v1;
	v2 =	vsel vm1, v4, v2  }
0xdb: {  	v3 =	vsel vm1, v7, v3;
	v4 =	vsel vm1, $0x7, v4;
	vm0 =	vgt.f32 v5, v1  }
0xdc: {  	vm1 =	vgt.f32 v5, v3;
	v1 =	vsel vm0, v5, v1;
	v2 =	vsel vm0, $0x8, v2;
	v7 =	vld [tilespmem:s1+$0x0]  }
0xdd: {  	v1 =	vsel vm1, v3, v1;
	v2 =	vsel vm1, v4, v2  }
0xde: {  	v3 =	vsel vm1, v5, v3;
	vm0 =	vgt.f32 v6, v1  }
0xdf: {  	vm2 =	vgt.f32 v6, v3;
	v1 =	vsel vm0, v6, v1;
	v5 =	vld [tilespmem:s0+$0x0]  }
0xe0: {  	v4 =	vsel vm1, $0x8, v4;
	v2 =	vsel vm0, $0x9, v2;
	v1 =	vsel vm2, v3, v1  }
0xe1: {  	v2 =	vsel vm2, v4, v2;
	v3 =	vsel vm2, v6, v3;
	vm0 =	vgt.f32 v7, v1  }
0xe2: {  	v4 =	vsel vm2, $0x9, v4;
	vm1 =	vgt.f32 v7, v3;
	v1 =	vsel vm0, v7, v1;
	v6 =	vld [tilespmem:s31+$0x0]  }
0xe3: {  	v2 =	vsel vm0, $0xA, v2;
	v8 =	vsel vm1, $0xA, v4;
	v1 =	vsel vm1, v3, v1  }
0xe4: {  	v2 =	vsel vm1, v4, v2;
	v3 =	vsel vm1, v7, v3;
	vm0 =	vgt.f32 v5, v1  }
0xe5: {  	vm1 =	vgt.f32 v5, v3;
	v1 =	vsel vm0, v5, v1;
	v2 =	vsel vm0, $0xB, v2;
	v4 =	vld [tilespmem:s30+$0x0]  }
0xe6: {  	v1 =	vsel vm1, v3, v1;
	v2 =	vsel vm1, v8, v2  }
0xe7: {  	v3 =	vsel vm1, v5, v3;
	vm0 =	vgt.f32 v6, v1  }
0xe8: {  	vm2 =	vgt.f32 v6, v3;
	v1 =	vsel vm0, v6, v1;
	v2 =	vsel vm0, $0xC, v2;
	v5 =	vld [tilespmem:s29+$0x0]  }
0xe9: {  	v1 =	vsel vm2, v3, v1  }
0xea: {  	v3 =	vsel vm2, v6, v3;
	vm0 =	vgt.f32 v4, v1  }
0xeb: {  	vm3 =	vgt.f32 v4, v3;
	v1 =	vsel vm0, v4, v1;
	v6 =	vld [tilespmem:s28+$0x0]  }
0xec: {  	v1 =	vsel vm3, v3, v1  }
0xed: {  	v7 =	vsel vm1, $0xB, v8;
	v3 =	vsel vm3, v4, v3;
	vm1 =	vgt.f32 v5, v1  }
0xee: {  	v4 =	vsel vm2, $0xC, v7;
	vm4 =	vgt.f32 v5, v3;
	v1 =	vsel vm1, v5, v1  }
0xef: {  	v8 =	vsel vm3, $0xD, v4;
	v1 =	vsel vm4, v3, v1;
	v3 =	vsel vm4, v5, v3  }
0xf0: {  	v2 =	vsel vm2, v7, v2;
	vm2 =	vgt.f32 v6, v3;
	vm5 =	vgt.f32 v6, v1  }
0xf1: {  	v5 =	vsel vm4, $0xE, v8;
	v1 =	vsel vm5, v6, v1;
	v6 =	vsel vm2, v6, v3  }
0xf2: {  	v2 =	vsel vm0, $0xD, v2;
	v1 =	vsel vm2, v3, v1;
	v3 =	vsel vm2, $0xF, v5  }
0xf3: {  	v2 =	vsel vm3, v4, v2;
	v1 =	vsub.f32 v1, v6  }
0xf4: {  	v2 =	vsel vm1, $0xE, v2  }
0xf5: {  	s0 =	sshll.u32 s13, $0x6;
	s13 =	smov.u32 s26;
	v2 =	vsel vm4, v8, v2;
	v1 =	vmul.f32 $1.442695020e+00, v1  }
0xf6: {  	s26 =	sand.u32 $0xFFFFFF00, s0;
	v2 =	vsel vm5, $0xF, v2  }
0xf7: {  	s0 =	sor.u32 s25, s26;
	v2 =	vsel vm2, v5, v2;
	(erf) = vpow2.f32 v1  }
0xf8: {  	[tilespmem:s0+$0x2480] =	vst v2;
	_ =	sdelay $0x7  }
0xf9: {  	v1 =	vpop (erf)  }
0xfa: {  	v2 =	vadd.f32 $1.000000000e+00, v1;
	_ =	sdelay $0x1  }
0xfb: {  	(erf) = vrcp.f32 v2;
	_ =	sdelay $0x8  }
0xfc: {  	v2 =	vpop (erf)  }
0xfd: {  	[tilespmem:s0+$0x2000] =	vst v2;
	v1 =	vmul.f32 v2, v1  }
0xfe: {  	s25 =	sor.u32 $0x10, s25;
	[tilespmem:s0+$0x2400] =	vst v3  }
0xff: {  	[tilespmem:s0+$0x2080] =	vst v1;
	s0 =	sor.u32 s25, s24  }
0x100: {  	v1 =	vld [tilespmem:s0+$0x0]  }
0x101: {  	v2 =	vld [tilespmem:s0+$0x80];
	_ =	sdelay $0x2  }
0x102: {  	v3 =	vld [tilespmem:s0+$0x100];
	_ =	sdelay $0x1  }
0x103: {  	vm0 =	vgt.f32 v2, v1;
	vm1 =	vgt.f32 v2, $-3.000000010e+38  }
0x104: {  	vm2 =	vmneg vm0;
	v4 =	vnsel vm1, $0xFF61B1E6, v2;
	v5 =	vsel vm0, $0x1, v0;
	v6 =	vld [tilespmem:s0+$0x180]  }
0x105: {  	v4 =	vsel vm2, v4, v1;
	vm0 =	vmand vm2, vm1;
	v1 =	vsel vm2, v1, v2  }
0x106: {  	v2 =	vsel vm0, $0x1, v0;
	vm0 =	vgt.f32 v3, v4  }
0x107: {  	vm1 =	vgt.f32 v3, v1;
	v4 =	vsel vm0, v3, v4;
	v2 =	vsel vm0, $0x2, v2;
	v7 =	vld [tilespmem:s0+$0x200]  }
0x108: {  	v4 =	vsel vm1, v1, v4;
	v1 =	vsel vm1, v3, v1;
	v3 =	vsel vm1, $0x2, v5  }
0x109: {  	v2 =	vsel vm1, v5, v2;
	vm0 =	vgt.f32 v6, v4  }
0x10a: {  	vm1 =	vgt.f32 v6, v1;
	v4 =	vsel vm0, v6, v4;
	v2 =	vsel vm0, $0x3, v2;
	v5 =	vld [tilespmem:s0+$0x280]  }
0x10b: {  	v4 =	vsel vm1, v1, v4;
	v2 =	vsel vm1, v3, v2;
	v1 =	vsel vm1, v6, v1  }
0x10c: {  	v3 =	vsel vm1, $0x3, v3;
	vm0 =	vgt.f32 v7, v4  }
0x10d: {  	vm1 =	vgt.f32 v7, v1;
	v4 =	vsel vm0, v7, v4;
	v2 =	vsel vm0, $0x4, v2;
	v6 =	vld [tilespmem:s0+$0x300]  }
0x10e: {  	v4 =	vsel vm1, v1, v4;
	v2 =	vsel vm1, v3, v2;
	v1 =	vsel vm1, v7, v1  }
0x10f: {  	v3 =	vsel vm1, $0x4, v3;
	vm0 =	vgt.f32 v5, v4  }
0x110: {  	vm1 =	vgt.f32 v5, v1;
	v4 =	vsel vm0, v5, v4;
	v2 =	vsel vm0, $0x5, v2;
	v7 =	vld [tilespmem:s0+$0x380]  }
0x111: {  	v4 =	vsel vm1, v1, v4;
	v2 =	vsel vm1, v3, v2  }
0x112: {  	s0 =	sor.u32 s25, s23;
	v1 =	vsel vm1, v5, v1;
	v3 =	vsel vm1, $0x5, v3;
	vm0 =	vgt.f32 v6, v4  }
0x113: {  	vm1 =	vgt.f32 v6, v1;
	v4 =	vsel vm0, v6, v4;
	v2 =	vsel vm0, $0x6, v2;
	v5 =	vld [tilespmem:s0+$0x0]  }
0x114: {  	v4 =	vsel vm1, v1, v4;
	v2 =	vsel vm1, v3, v2  }
0x115: {  	s0 =	sor.u32 s25, s22;
	v1 =	vsel vm1, v6, v1;
	v3 =	vsel vm1, $0x6, v3;
	vm0 =	vgt.f32 v7, v4  }
0x116: {  	vm1 =	vgt.f32 v7, v1;
	v4 =	vsel vm0, v7, v4;
	v2 =	vsel vm0, $0x7, v2;
	v6 =	vld [tilespmem:s0+$0x0]  }
0x117: {  	v4 =	vsel vm1, v1, v4;
	v2 =	vsel vm1, v3, v2  }
0x118: {  	s0 =	sor.u32 s25, s21;
	v1 =	vsel vm1, v7, v1;
	v3 =	vsel vm1, $0x7, v3;
	vm0 =	vgt.f32 v5, v4  }
0x119: {  	vm1 =	vgt.f32 v5, v1;
	v4 =	vsel vm0, v5, v4;
	v2 =	vsel vm0, $0x8, v2;
	v7 =	vld [tilespmem:s0+$0x0]  }
0x11a: {  	v4 =	vsel vm1, v1, v4;
	v2 =	vsel vm1, v3, v2  }
0x11b: {  	s0 =	sor.u32 s25, s20;
	v1 =	vsel vm1, v5, v1;
	vm0 =	vgt.f32 v6, v4  }
0x11c: {  	vm2 =	vgt.f32 v6, v1;
	v4 =	vsel vm0, v6, v4;
	v5 =	vld [tilespmem:s0+$0x0]  }
0x11d: {  	v3 =	vsel vm1, $0x8, v3;
	v2 =	vsel vm0, $0x9, v2;
	v4 =	vsel vm2, v1, v4  }
0x11e: {  	s0 =	sor.u32 s25, s19;
	v2 =	vsel vm2, v3, v2;
	v1 =	vsel vm2, v6, v1;
	vm0 =	vgt.f32 v7, v4  }
0x11f: {  	v3 =	vsel vm2, $0x9, v3;
	vm1 =	vgt.f32 v7, v1;
	v4 =	vsel vm0, v7, v4;
	v6 =	vld [tilespmem:s0+$0x0]  }
0x120: {  	v2 =	vsel vm0, $0xA, v2;
	v8 =	vsel vm1, $0xA, v3;
	v4 =	vsel vm1, v1, v4  }
0x121: {  	s0 =	sor.u32 s25, s18;
	v2 =	vsel vm1, v3, v2;
	v1 =	vsel vm1, v7, v1;
	vm0 =	vgt.f32 v5, v4  }
0x122: {  	vm1 =	vgt.f32 v5, v1;
	v3 =	vsel vm0, v5, v4;
	v2 =	vsel vm0, $0xB, v2;
	v4 =	vld [tilespmem:s0+$0x0]  }
0x123: {  	v7 =	vsel vm1, $0xB, v8;
	v3 =	vsel vm1, v1, v3;
	v2 =	vsel vm1, v8, v2  }
0x124: {  	s0 =	sor.u32 s25, s17;
	v1 =	vsel vm1, v5, v1;
	vm0 =	vgt.f32 v6, v3  }
0x125: {  	vm1 =	vgt.f32 v6, v1;
	v3 =	vsel vm0, v6, v3;
	v2 =	vsel vm0, $0xC, v2;
	v5 =	vld [tilespmem:s0+$0x0]  }
0x126: {  	v3 =	vsel vm1, v1, v3;
	v2 =	vsel vm1, v7, v2;
	v1 =	vsel vm1, v6, v1  }
0x127: {  	s0 =	sor.u32 s25, s16;
	v6 =	vsel vm1, $0xC, v7;
	vm0 =	vgt.f32 v4, v3  }
0x128: {  	vm1 =	vgt.f32 v4, v1;
	v3 =	vsel vm0, v4, v3;
	v2 =	vsel vm0, $0xD, v2;
	v7 =	vld [tilespmem:s0+$0x0]  }
0x129: {  	v3 =	vsel vm1, v1, v3;
	v2 =	vsel vm1, v6, v2;
	v1 =	vsel vm1, v4, v1  }
0x12a: {  	vm0 =	vgt.f32 v5, v3  }
0x12b: {  	vm2 =	vgt.f32 v5, v1;
	v3 =	vsel vm0, v5, v3;
	v2 =	vsel vm0, $0xE, v2  }
0x12c: {  	v4 =	vsel vm1, $0xD, v6;
	v3 =	vsel vm2, v1, v3;
	v1 =	vsel vm2, v5, v1  }
0x12d: {  	v2 =	vsel vm2, v4, v2;
	v4 =	vsel vm2, $0xE, v4;
	vm0 =	vgt.f32 v7, v3  }
0x12e: {  	vm1 =	vgt.f32 v7, v1;
	v3 =	vsel vm0, v7, v3;
	v2 =	vsel vm0, $0xF, v2  }
0x12f: {  	s0 =	sor.u32 s26, s25;
	v3 =	vsel vm1, v1, v3;
	v2 =	vsel vm1, v4, v2;
	v1 =	vsel vm1, v7, v1  }
0x130: {  	v4 =	vsel vm1, $0xF, v4;
	v1 =	vsub.f32 v3, v1;
	[tilespmem:s0+$0x2480] =	vst v2  }
0x131: {  	[tilespmem:s0+$0x2400] =	vst v4  }
0x132: {  	v1 =	vmul.f32 $1.442695020e+00, v1;
	_ =	sdelay $0x1  }
0x133: {  	(erf) = vpow2.f32 v1;
	_ =	sdelay $0x8  }
0x134: {  	v1 =	vpop (erf)  }
0x135: {  	v2 =	vadd.f32 $1.000000000e+00, v1;
	_ =	sdelay $0x1  }
0x136: {  	(erf) = vrcp.f32 v2;
	_ =	sdelay $0x4  }
.Ltmp0:
0x137: {  	(pc) =	sbr.rel @p0 .LBB2_2-.Ltmp0, $2  }
0x138: {  	_ =	sdelay $0x2  }
0x139: {  	s1 =	smov.u32 s15;
	v2 =	vpop (erf)  }
0x13a: {  	s1 =	sshll.u32 s13, $0x8;
	v1 =	vmul.f32 v2, v1;
	s7 =	sadd.s32 $0x20, s14  }
0x13b: {  	[tilespmem:s0+$0x2000] =	vst v2;
	s16 =	sand.u32 $0x60, s7;
	s26 =	sand.u32 $0x3FFFFC00, s1  }
0x13c: {  	s1 =	sor.u32 s16, s26;
	[tilespmem:s0+$0x2080] =	vst v1  }
0x13d: {  	v1 =	vld [tilespmem:s1+$0x0]  }
0x13e: {  	v2 =	vld [tilespmem:s1+$0x80];
	_ =	sdelay $0x2  }
0x13f: {  	v3 =	vld [tilespmem:s1+$0x100];
	_ =	sdelay $0x1  }
0x140: {  	vm10 =	vgt.f32 v2, v1;
	vm15 =	vgt.f32 v2, $-3.000000010e+38  }
0x141: {  	vm14 =	vmneg vm10;
	v4 =	vnsel vm15, $0xFF61B1E6, v2  }
0x142: {  	v5 =	vld [tilespmem:s1+$0x180];
	v4 =	vsel vm14, v4, v1  }
0x143: {  	v1 =	vsel vm14, v1, v2;
	v2 =	vimm.s32 $0x0;
	vm0 =	vgt.f32 v3, v4  }
0x144: {  	v2 =	vsel vm0, $0xFFFFFFFF, v2  }
0x145: {  	vm9 =	vgt.f32 v3, v1;
	[tilespmem:$0x1FD20] =	vst v2;
	v2 =	vsel vm0, v3, v4  }
0x146: {  	v15 =	vld [tilespmem:s1+$0x200];
	v2 =	vsel vm9, v1, v2  }
0x147: {  	v1 =	vsel vm9, v3, v1;
	v3 =	vimm.s32 $0x0;
	vm4 =	vgt.f32 v5, v2  }
0x148: {  	v3 =	vsel vm4, $0xFFFFFFFF, v3  }
0x149: {  	vm12 =	vgt.f32 v5, v1;
	v2 =	vsel vm4, v5, v2;
	[tilespmem:$0x1FD30] =	vst v3;
	v3 =	vld [tilespmem:s1+$0x280]  }
0x14a: {  	v2 =	vsel vm12, v1, v2  }
0x14b: {  	v1 =	vsel vm12, v5, v1;
	vm5 =	vgt.f32 v15, v2  }
0x14c: {  	v17 =	vld [tilespmem:s1+$0x300];
	vm8 =	vgt.f32 v15, v1;
	v2 =	vsel vm5, v15, v2  }
0x14d: {  	v2 =	vsel vm8, v1, v2  }
0x14e: {  	v1 =	vsel vm8, v15, v1;
	vm13 =	vgt.f32 v3, v2  }
0x14f: {  	v16 =	vimm.s32 $0x0;
	vm7 =	vgt.f32 v3, v1;
	v2 =	vsel vm13, v3, v2  }
0x150: {  	v19 =	vld [tilespmem:s1+$0x380];
	v5 =	vsel vm5, $0xFFFFFFFF, v16;
	v2 =	vsel vm7, v1, v2  }
0x151: {  	s15 =	sadd.s32 $0x1000, s26;
	v1 =	vsel vm7, v3, v1;
	v3 =	vimm.s32 $0x0;
	vm5 =	vgt.f32 v17, v2  }
0x152: {  	s28 =	sor.u32 s16, s15;
	v3 =	vsel vm5, $0xFFFFFFFF, v3  }
0x153: {  	vm11 =	vgt.f32 v17, v1;
	v2 =	vsel vm5, v17, v2;
	[tilespmem:$0x1FD60] =	vst v3;
	v3 =	vld [tilespmem:s28+$0x0]  }
0x154: {  	s17 =	sadd.s32 $0x1080, s26;
	v2 =	vsel vm11, v1, v2  }
0x155: {  	v18 =	vimm.s32 $0x0;
	s29 =	sor.u32 s16, s17;
	v1 =	vsel vm11, v17, v1;
	vm6 =	vgt.f32 v19, v2  }
0x156: {  	v21 =	vld [tilespmem:s29+$0x0];
	v4 =	vsel vm13, $0xFFFFFFFF, v18;
	vm13 =	vgt.f32 v19, v1;
	v2 =	vsel vm6, v19, v2  }
0x157: {  	v2 =	vsel vm13, v1, v2  }
0x158: {  	v20 =	vimm.s32 $0x0;
	s18 =	sadd.s32 $0x1100, s26;
	v1 =	vsel vm13, v19, v1;
	vm4 =	vgt.f32 v3, v2  }
0x159: {  	s30 =	sor.u32 s16, s18;
	[tilespmem:$0x1FD40] =	vst v5;
	v5 =	vsel vm6, $0xFFFFFFFF, v20;
	vm6 =	vgt.f32 v3, v1;
	v2 =	vsel vm4, v3, v2  }
0x15a: {  	v23 =	vld [tilespmem:s30+$0x0];
	v2 =	vsel vm6, v1, v2  }
0x15b: {  	s19 =	sadd.s32 $0x1180, s26;
	v1 =	vsel vm6, v3, v1;
	v3 =	vimm.s32 $0x0;
	vm5 =	vgt.f32 v21, v2  }
0x15c: {  	s31 =	sor.u32 s16, s19;
	v3 =	vsel vm5, $0xFFFFFFFF, v3  }
0x15d: {  	v2 =	vsel vm5, v21, v2;
	vm5 =	vgt.f32 v21, v1;
	[tilespmem:$0x1FD90] =	vst v3;
	v3 =	vld [tilespmem:s31+$0x0]  }
0x15e: {  	v22 =	vimm.s32 $0x0;
	v24 =	vimm.s32 $0x0;
	s20 =	sadd.s32 $0x1200, s26;
	v2 =	vsel vm5, v1, v2  }
0x15f: {  	s1 =	sor.u32 s16, s20;
	[tilespmem:$0x1FD50] =	vst v4;
	v4 =	vsel vm4, $0xFFFFFFFF, v22;
	v1 =	vsel vm5, v21, v1;
	vm4 =	vgt.f32 v23, v2  }
0x160: {  	v25 =	vld [tilespmem:s1+$0x0];
	[tilespmem:$0x1FD70] =	vst v5;
	v5 =	vsel vm4, $0xFFFFFFFF, v24;
	v2 =	vsel vm4, v23, v2;
	vm4 =	vgt.f32 v23, v1  }
0x161: {  	v2 =	vsel vm4, v1, v2  }
0x162: {  	s21 =	sadd.s32 $0x1280, s26;
	v1 =	vsel vm4, v23, v1;
	vm0 =	vgt.f32 v3, v2  }
0x163: {  	v26 =	vimm.s32 $0x0;
	s7 =	sor.u32 s16, s21;
	vm3 =	vgt.f32 v3, v1;
	v2 =	vsel vm0, v3, v2  }
0x164: {  	v27 =	vld [tilespmem:s7+$0x0];
	[tilespmem:$0x1FD80] =	vst v4;
	v4 =	vsel vm0, $0xFFFFFFFF, v26;
	v2 =	vsel vm3, v1, v2  }
0x165: {  	s22 =	sadd.s32 $0x1300, s26;
	v1 =	vsel vm3, v3, v1;
	v3 =	vimm.s32 $0x0;
	vm0 =	vgt.f32 v25, v2  }
0x166: {  	s8 =	sor.u32 s16, s22;
	v7 =	vld [tilespmem:$0x1FD20];
	v3 =	vsel vm0, $0xFFFFFFFF, v3  }
0x167: {  	vm2 =	vgt.f32 v25, v1;
	v2 =	vsel vm0, v25, v2;
	[tilespmem:$0x1FDC0] =	vst v3;
	v3 =	vld [tilespmem:s8+$0x0]  }
0x168: {  	v28 =	vimm.s32 $0x0;
	s23 =	sadd.s32 $0x1380, s26;
	v2 =	vsel vm2, v1, v2  }
0x169: {  	s10 =	sor.u32 s16, s23;
	v6 =	vsel vm10, $0x1, v0;
	v31 =	vld [tilespmem:$0x1FD30];
	v1 =	vsel vm2, v25, v1;
	vm0 =	vgt.f32 v27, v2  }
0x16a: {  	v29 =	vld [tilespmem:s10+$0x0];
	[tilespmem:$0x1FDA0] =	vst v5;
	vm1 =	vgt.f32 v27, v1;
	v5 =	vsel vm0, $0xFFFFFFFF, v28;
	v2 =	vsel vm0, v27, v2  }
0x16b: {  	vm0 =	vmand vm14, vm15;
	vm15 =	vnez.u8 v7;
	v2 =	vsel vm1, v1, v2  }
0x16c: {  	v1 =	vsel vm1, v27, v1;
	v30 =	vsel vm0, $0x1, v0;
	vm14 =	vgt.f32 v3, v2  }
0x16d: {  	v32 =	vld [tilespmem:$0x1FD40];
	[tilespmem:$0x1FDB0] =	vst v4;
	v4 =	vsel vm15, $0x2, v30;
	vm0 =	vgt.f32 v3, v1;
	v2 =	vsel vm14, v3, v2  }
0x16e: {  	vm15 =	vnez.u8 v31;
	v4 =	vsel vm9, v6, v4;
	v2 =	vsel vm0, v1, v2  }
0x16f: {  	v33 =	vld [tilespmem:$0x1FD50];
	v4 =	vsel vm15, $0x3, v4;
	v1 =	vsel vm0, v3, v1;
	vm10 =	vgt.f32 v29, v2  }
0x170: {  	v3 =	vsel vm9, $0x2, v6;
	vm9 =	vgt.f32 v29, v1;
	v2 =	vsel vm10, v29, v2  }
0x171: {  	[tilespmem:$0x1FDD0] =	vst v5;
	v5 =	vsel vm9, v29, v1;
	v1 =	vsel vm9, v1, v2;
	v2 =	vsel vm12, v3, v4  }
0x172: {  	v3 =	vsel vm12, $0x3, v3;
	vm12 =	vnez.u8 v32;
	v1 =	vsub.f32 v1, v5  }
0x173: {  	v2 =	vsel vm12, $0x4, v2  }
0x174: {  	vm12 =	vnez.u8 v33;
	v2 =	vsel vm8, v3, v2;
	v1 =	vmul.f32 $1.442695020e+00, v1  }
0x175: {  	v3 =	vsel vm8, $0x4, v3;
	v2 =	vsel vm12, $0x5, v2  }
0x176: {  	v2 =	vsel vm7, v3, v2;
	(erf) = vpow2.f32 v1;
	v1 =	vsel vm7, $0x5, v3;
	v3 =	vld [tilespmem:$0x1FD60];
	_ =	sdelay $0x4  }
0x177: {  	vm15 =	vnez.u8 v3;
	v3 =	vld [tilespmem:$0x1FD70];
	_ =	sdelay $0x4  }
0x178: {  	vm12 =	vnez.u8 v3;
	v3 =	vld [tilespmem:$0x1FD80];
	_ =	sdelay $0x4  }
0x179: {  	v2 =	vsel vm15, $0x6, v2;
	vm15 =	vnez.u8 v3;
	v3 =	vld [tilespmem:$0x1FD90];
	_ =	sdelay $0x3  }
0x17a: {  	v2 =	vsel vm11, v1, v2  }
0x17b: {  	v1 =	vsel vm11, $0x6, v1;
	v2 =	vsel vm12, $0x7, v2;
	vm11 =	vnez.u8 v3;
	v3 =	vld [tilespmem:$0x1FDA0]  }
0x17c: {  	v2 =	vsel vm13, v1, v2  }
0x17d: {  	v35 =	vld [tilespmem:$0x1FDB0];
	v1 =	vsel vm13, $0x7, v1;
	v2 =	vsel vm15, $0x8, v2  }
0x17e: {  	v2 =	vsel vm6, v1, v2  }
0x17f: {  	v36 =	vld [tilespmem:$0x1FDC0];
	v1 =	vsel vm6, $0x8, v1;
	v2 =	vsel vm11, $0x9, v2  }
0x180: {  	v2 =	vsel vm5, v1, v2;
	vm12 =	vnez.u8 v3  }
0x181: {  	v37 =	vld [tilespmem:$0x1FDD0];
	v1 =	vsel vm5, $0x9, v1;
	v2 =	vsel vm12, $0xA, v2  }
0x182: {  	vm13 =	vnez.u8 v35;
	v2 =	vsel vm4, v1, v2  }
0x183: {  	v3 =	vpop (erf);
	v1 =	vsel vm4, $0xA, v1;
	v2 =	vsel vm13, $0xB, v2  }
0x184: {  	vm15 =	vnez.u8 v36;
	v34 =	vadd.f32 $1.000000000e+00, v3;
	v2 =	vsel vm3, v1, v2  }
0x185: {  	v1 =	vsel vm3, $0xB, v1;
	v2 =	vsel vm15, $0xC, v2  }
0x186: {  	vm6 =	vnez.u8 v37;
	(erf) = vrcp.f32 v34;
	v2 =	vsel vm2, v1, v2  }
0x187: {  	v1 =	vsel vm2, $0xC, v1;
	v2 =	vsel vm6, $0xD, v2  }
0x188: {  	v2 =	vsel vm1, v1, v2  }
0x189: {  	v1 =	vsel vm1, $0xD, v1;
	v2 =	vsel vm14, $0xE, v2  }
0x18a: {  	v2 =	vsel vm0, v1, v2  }
0x18b: {  	v1 =	vsel vm0, $0xE, v1;
	v2 =	vsel vm10, $0xF, v2  }
0x18c: {  	s13 =	sshll.u32 s13, $0x6;
	v2 =	vsel vm9, v1, v2  }
0x18d: {  	s13 =	sand.u32 $0xFFFFFF00, s13  }
0x18e: {  	s0 =	sor.u32 s16, s13  }
0x18f: {  	[tilespmem:s0+$0x2480] =	vst v2;
	v2 =	vpop (erf)  }
0x190: {  	v1 =	vsel vm9, $0xF, v1;
	[tilespmem:s0+$0x2000] =	vst v2;
	v2 =	vmul.f32 v2, v3  }
0x191: {  	s16 =	sor.u32 $0x10, s16;
	[tilespmem:s0+$0x2400] =	vst v1  }
0x192: {  	s14 =	sor.u32 s16, s26;
	[tilespmem:s0+$0x2080] =	vst v2  }
0x193: {  	v1 =	vld [tilespmem:s14+$0x0]  }
0x194: {  	v2 =	vld [tilespmem:s14+$0x80];
	_ =	sdelay $0x2  }
0x195: {  	v3 =	vld [tilespmem:s14+$0x100];
	_ =	sdelay $0x1  }
0x196: {  	vm11 =	vgt.f32 v2, v1;
	vm13 =	vgt.f32 v2, $-3.000000010e+38  }
0x197: {  	v39 =	vld [tilespmem:s14+$0x180];
	vm0 =	vmneg vm11;
	v38 =	vnsel vm13, $0xFF61B1E6, v2  }
0x198: {  	v4 =	vsel vm0, v38, v1  }
0x199: {  	v1 =	vsel vm0, v1, v2;
	vm15 =	vgt.f32 v3, v4  }
0x19a: {  	vm9 =	vgt.f32 v3, v1;
	v2 =	vsel vm15, v3, v4  }
0x19b: {  	v40 =	vld [tilespmem:s14+$0x200];
	v2 =	vsel vm9, v1, v2  }
0x19c: {  	v1 =	vsel vm9, v3, v1;
	v3 =	vimm.s32 $0x0;
	vm7 =	vgt.f32 v39, v2  }
0x19d: {  	v3 =	vsel vm7, $0xFFFFFFFF, v3  }
0x19e: {  	vm10 =	vgt.f32 v39, v1;
	v2 =	vsel vm7, v39, v2;
	[tilespmem:$0x1FDE0] =	vst v3;
	v3 =	vld [tilespmem:s14+$0x280]  }
0x19f: {  	v2 =	vsel vm10, v1, v2  }
0x1a0: {  	v1 =	vsel vm10, v39, v1;
	vm12 =	vgt.f32 v40, v2  }
0x1a1: {  	v42 =	vld [tilespmem:s14+$0x300];
	vm8 =	vgt.f32 v40, v1;
	v2 =	vsel vm12, v40, v2  }
0x1a2: {  	v2 =	vsel vm8, v1, v2  }
0x1a3: {  	v1 =	vsel vm8, v40, v1;
	vm14 =	vgt.f32 v3, v2  }
0x1a4: {  	vm7 =	vgt.f32 v3, v1;
	v2 =	vsel vm14, v3, v2  }
0x1a5: {  	v44 =	vld [tilespmem:s14+$0x380];
	v2 =	vsel vm7, v1, v2  }
0x1a6: {  	v1 =	vsel vm7, v3, v1;
	v3 =	vimm.s32 $0x0;
	vm5 =	vgt.f32 v42, v2  }
0x1a7: {  	v41 =	vimm.s32 $0x0;
	s15 =	sor.u32 s16, s15;
	v3 =	vsel vm5, $0xFFFFFFFF, v3  }
0x1a8: {  	v5 =	vsel vm12, $0xFFFFFFFF, v41;
	vm12 =	vgt.f32 v42, v1;
	v2 =	vsel vm5, v42, v2;
	[tilespmem:$0x1FE10] =	vst v3;
	v3 =	vld [tilespmem:s15+$0x0]  }
0x1a9: {  	v2 =	vsel vm12, v1, v2  }
0x1aa: {  	v43 =	vimm.s32 $0x0;
	s17 =	sor.u32 s16, s17;
	v1 =	vsel vm12, v42, v1;
	vm6 =	vgt.f32 v44, v2  }
0x1ab: {  	v46 =	vld [tilespmem:s17+$0x0];
	v4 =	vsel vm14, $0xFFFFFFFF, v43;
	vm14 =	vgt.f32 v44, v1;
	v2 =	vsel vm6, v44, v2  }
0x1ac: {  	v2 =	vsel vm14, v1, v2  }
0x1ad: {  	v45 =	vimm.s32 $0x0;
	v1 =	vsel vm14, v44, v1;
	vm4 =	vgt.f32 v3, v2  }
0x1ae: {  	s18 =	sor.u32 s16, s18;
	[tilespmem:$0x1FDF0] =	vst v5;
	v5 =	vsel vm6, $0xFFFFFFFF, v45;
	vm6 =	vgt.f32 v3, v1;
	v2 =	vsel vm4, v3, v2  }
0x1af: {  	v48 =	vld [tilespmem:s18+$0x0];
	v2 =	vsel vm6, v1, v2  }
0x1b0: {  	v1 =	vsel vm6, v3, v1;
	v3 =	vimm.s32 $0x0;
	vm5 =	vgt.f32 v46, v2  }
0x1b1: {  	s24 =	sor.u32 s16, s19;
	v3 =	vsel vm5, $0xFFFFFFFF, v3  }
0x1b2: {  	v2 =	vsel vm5, v46, v2;
	vm5 =	vgt.f32 v46, v1;
	[tilespmem:$0x1FE40] =	vst v3;
	v3 =	vld [tilespmem:s24+$0x0]  }
0x1b3: {  	v47 =	vimm.s32 $0x0;
	v49 =	vimm.s32 $0x0;
	v2 =	vsel vm5, v1, v2  }
0x1b4: {  	s25 =	sor.u32 s16, s20;
	[tilespmem:$0x1FE00] =	vst v4;
	v4 =	vsel vm4, $0xFFFFFFFF, v47;
	v1 =	vsel vm5, v46, v1;
	vm4 =	vgt.f32 v48, v2  }
0x1b5: {  	v50 =	vld [tilespmem:s25+$0x0];
	[tilespmem:$0x1FE20] =	vst v5;
	v5 =	vsel vm4, $0xFFFFFFFF, v49;
	v2 =	vsel vm4, v48, v2;
	vm4 =	vgt.f32 v48, v1  }
0x1b6: {  	v2 =	vsel vm4, v1, v2  }
0x1b7: {  	v1 =	vsel vm4, v48, v1;
	vm1 =	vgt.f32 v3, v2  }
0x1b8: {  	v51 =	vimm.s32 $0x0;
	s26 =	sor.u32 s16, s21;
	vm3 =	vgt.f32 v3, v1;
	v2 =	vsel vm1, v3, v2  }
0x1b9: {  	v52 =	vld [tilespmem:s26+$0x0];
	[tilespmem:$0x1FE30] =	vst v4;
	v4 =	vsel vm1, $0xFFFFFFFF, v51;
	v2 =	vsel vm3, v1, v2  }
0x1ba: {  	v1 =	vsel vm3, v3, v1;
	v3 =	vimm.s32 $0x0;
	vm1 =	vgt.f32 v50, v2  }
0x1bb: {  	s28 =	sor.u32 s16, s22;
	v3 =	vsel vm1, $0xFFFFFFFF, v3  }
0x1bc: {  	vm2 =	vgt.f32 v50, v1;
	v2 =	vsel vm1, v50, v2;
	[tilespmem:$0x1FE70] =	vst v3;
	v3 =	vld [tilespmem:s28+$0x0]  }
0x1bd: {  	v2 =	vsel vm2, v1, v2  }
0x1be: {  	v53 =	vimm.s32 $0x0;
	s29 =	sor.u32 s16, s23;
	v57 =	vld [tilespmem:$0x1FDE0];
	v1 =	vsel vm2, v50, v1;
	vm1 =	vgt.f32 v52, v2  }
0x1bf: {  	v54 =	vld [tilespmem:s29+$0x0];
	[tilespmem:$0x1FE50] =	vst v5;
	v5 =	vsel vm1, $0xFFFFFFFF, v53;
	v2 =	vsel vm1, v52, v2;
	vm1 =	vgt.f32 v52, v1  }
0x1c0: {  	v56 =	vsel vm11, $0x1, v0;
	v2 =	vsel vm1, v1, v2  }
0x1c1: {  	vm0 =	vmand vm0, vm13;
	v1 =	vsel vm1, v52, v1;
	vm13 =	vgt.f32 v3, v2  }
0x1c2: {  	v55 =	vsel vm0, $0x1, v0;
	v58 =	vld [tilespmem:$0x1FDF0];
	vm0 =	vgt.f32 v3, v1;
	v2 =	vsel vm13, v3, v2  }
0x1c3: {  	[tilespmem:$0x1FE60] =	vst v4;
	v4 =	vsel vm15, $0x2, v55;
	vm15 =	vnez.u8 v57;
	v2 =	vsel vm0, v1, v2  }
0x1c4: {  	v59 =	vld [tilespmem:$0x1FE00];
	v4 =	vsel vm9, v56, v4;
	v1 =	vsel vm0, v3, v1;
	vm11 =	vgt.f32 v54, v2  }
0x1c5: {  	v3 =	vsel vm9, $0x2, v56;
	vm9 =	vgt.f32 v54, v1;
	v2 =	vsel vm11, v54, v2  }
0x1c6: {  	v4 =	vsel vm15, $0x3, v4;
	v2 =	vsel vm9, v1, v2;
	v1 =	vsel vm9, v54, v1  }
0x1c7: {  	vm15 =	vnez.u8 v58;
	v1 =	vsub.f32 v2, v1;
	v2 =	vsel vm10, v3, v4  }
0x1c8: {  	v3 =	vsel vm10, $0x3, v3;
	v2 =	vsel vm15, $0x4, v2  }
0x1c9: {  	vm15 =	vnez.u8 v59;
	v2 =	vsel vm8, v3, v2;
	v1 =	vmul.f32 $1.442695020e+00, v1  }
0x1ca: {  	v3 =	vsel vm8, $0x4, v3;
	v2 =	vsel vm15, $0x5, v2  }
0x1cb: {  	(erf) = vpow2.f32 v1;
	v1 =	vsel vm7, v3, v2;
	v2 =	vsel vm7, $0x5, v3;
	v3 =	vld [tilespmem:$0x1FE10];
	_ =	sdelay $0x4  }
0x1cc: {  	vm10 =	vnez.u8 v3;
	v3 =	vld [tilespmem:$0x1FE20];
	_ =	sdelay $0x3  }
0x1cd: {  	v1 =	vsel vm10, $0x6, v1  }
0x1ce: {  	v1 =	vsel vm12, v2, v1;
	v2 =	vsel vm12, $0x6, v2;
	vm12 =	vnez.u8 v3;
	v3 =	vld [tilespmem:$0x1FE30];
	_ =	sdelay $0x3  }
0x1cf: {  	v1 =	vsel vm12, $0x7, v1  }
0x1d0: {  	v1 =	vsel vm14, v2, v1;
	v2 =	vsel vm14, $0x7, v2;
	vm14 =	vnez.u8 v3;
	v3 =	vld [tilespmem:$0x1FE40];
	_ =	sdelay $0x4  }
0x1d1: {  	vm15 =	vnez.u8 v3;
	v3 =	vld [tilespmem:$0x1FE50];
	_ =	sdelay $0x1  }
0x1d2: {  	v61 =	vld [tilespmem:$0x1FE60];
	v1 =	vsel vm14, $0x8, v1  }
0x1d3: {  	v1 =	vsel vm6, v2, v1  }
0x1d4: {  	v62 =	vld [tilespmem:$0x1FE70];
	v2 =	vsel vm6, $0x8, v2;
	v1 =	vsel vm15, $0x9, v1  }
0x1d5: {  	[tilespmem:$0x1FE80] =	vst v5;
	v1 =	vsel vm5, v2, v1;
	vm10 =	vnez.u8 v3  }
0x1d6: {  	v63 =	vld [tilespmem:$0x1FE80];
	v2 =	vsel vm5, $0x9, v2;
	v1 =	vsel vm10, $0xA, v1  }
0x1d7: {  	vm12 =	vnez.u8 v61;
	v1 =	vsel vm4, v2, v1  }
0x1d8: {  	v3 =	vpop (erf);
	v2 =	vsel vm4, $0xA, v2;
	v1 =	vsel vm12, $0xB, v1  }
0x1d9: {  	vm14 =	vnez.u8 v62;
	v60 =	vadd.f32 $1.000000000e+00, v3;
	v1 =	vsel vm3, v2, v1  }
0x1da: {  	v2 =	vsel vm3, $0xB, v2;
	v1 =	vsel vm14, $0xC, v1  }
0x1db: {  	vm15 =	vnez.u8 v63;
	(erf) = vrcp.f32 v60;
	v1 =	vsel vm2, v2, v1  }
0x1dc: {  	v2 =	vsel vm2, $0xC, v2;
	v1 =	vsel vm15, $0xD, v1  }
0x1dd: {  	v1 =	vsel vm1, v2, v1  }
0x1de: {  	v2 =	vsel vm1, $0xD, v2;
	v1 =	vsel vm13, $0xE, v1  }
0x1df: {  	v1 =	vsel vm0, v2, v1  }
0x1e0: {  	v2 =	vsel vm0, $0xE, v2;
	v1 =	vsel vm11, $0xF, v1  }
0x1e1: {  	v1 =	vsel vm9, v2, v1;
	_ =	sdelay $0x1  }
0x1e2: {  	s30 =	sor.u32 s13, s16  }
0x1e3: {  	v2 =	vsel vm9, $0xF, v2;
	[tilespmem:s30+$0x2480] =	vst v1;
	v1 =	vpop (erf)  }
0x1e4: {  	[tilespmem:s30+$0x2400] =	vst v2;
	v2 =	vmul.f32 v1, v3  }
0x1e5: {  	[tilespmem:s30+$0x2000] =	vst v1  }
0x1e6: {  	s31 =	simm.s32 $0x2000;
	[tilespmem:s30+$0x2080] =	vst v2  }
0x1e7: {  	[hbm4b:s4+s2] =	stream.linear.scatter [tilespmem:s31], [sflag:$0x1], $0x400, $0x38;
	[tilespmem:$0x2800] =	vst v63  }
0x1e8: {  	s12 =	sadd.s32 $0x1, s12;
	_ =	swait.ge [sflag:s9], $0x400  }
0x1e9: {  	p0 =	sne.s32 s12, s6;
	[sflag:s9] =	ssyncset.done $0x0  }
.Ltmp1:
0x1ea: {  	[sflag:s9] =	ssyncadd.s32 $0xFFFFFC00;
	(pc) =	sbr.rel @p0 .LBB2_1-.Ltmp1, $4  }
0x1eb: {  	[hbm4b:s5+s2] =	stream.linear.scatter [tilespmem:s11], [sflag:$0x1], $0x400, $0x38;
	[tilespmem:$0x2800] =	vst v63  }
0x1ec: {  	_ =	swait.ge [sflag:s9], $0x400  }
0x1ed: {  	[sflag:s9] =	ssyncset.done $0x0  }
0x1ee: {  	[sflag:s9] =	ssyncadd.s32 $0xFFFFFC00  }
0x1ef: {  	_ =	sfence.sel $0x180000  }
0x1f0: {  	[bflag:$0x0] =	sbarrier.arrive $0xFFFF  }
0x1f1: {  	_ =	strace $0x90000047  }
0x1f2: {  	s0 =	stileid.u32;
	[bflag:$0x2] =	sbarrier.arrive $0xFFFF  }
0x1f3: {  	p0 =	sne.s32 s0, $0x0;
	s0 =	rddreg [dreg:$0x3]  }
0x1f4: {  	s0 =	sadd.s32 @!p0 $0x100000, s0  }
0x1f5: {  	[sflag:s0] =	ssyncadd.tile.s32 @!p0 $0x1;
	_ =	shalt  }
.Lfunc_end2:
_tile_overlayer_lowered:
.L_overlay_start_2:
0x1f6: {  	(tag) =	ssettag $0x2  }
0x1f7: {  	s0 =	rddreg [dreg:$0x0];
	s2 =	stileid.u32  }
0x1f8: {  	s1 =	rddreg [dreg:$0x1];
	p0 =	sne.s32 s2, $0x0  }
0x1f9: {  	s3 =	rddreg [dreg:$0x2];
	[bflag:$0x3] =	sbarrier.arrive $0xFFFF;
	s2 =	simm.s32 @!p0 $0x1C01  }
0x1fa: {  	[timem:s3], [sflag:s2] =	dma.local @!p0 [hbm:s0], s1  }
0x1fb: {  	s0 =	simm.s32 @!p0 $0x1  }
0x1fc: {  	_ =	swait.ge @!p0 [sflag:s0], s1  }
0x1fd: {  	s1 =	ssub.s32 @!p0 $0x0, s1;
	[sflag:s0] =	ssyncset.done @!p0 $0x0  }
0x1fe: {  	[sflag:s0] =	ssyncadd.s32 @!p0 s1  }
0x1ff: {  	[bflag:$0x3] =	sbarrier.arrive $0xFFFF  }
0x200: {  	_ =	shalt  }

</sc_bundles>
